<compile_context>
chip_gen: v7x
topology: tpu7x:2x2x1
jax: 0.10.2.dev20260603
libtpu: 0.0.44.dev20260713+nightly
codegen_flags: <defaults>
</compile_context>

<pallas_src>
import functools

import jax
import jax.numpy as jnp
from jax import lax
from jax.experimental import pallas as pl
from jax.experimental.pallas import tpu as pltpu
from jax.experimental.pallas import tpu_sc as plsc

_L = 16
_TILE = 128
_NBUF = 8
_NHALF = 1


@functools.lru_cache(maxsize=None)
def _build(seq_len: int, vocab: int, dim: int):
    info = plsc.get_sparse_core_info()
    nc, ns = info.num_cores, info.num_subcores
    nw = nc * ns
    assert seq_len % (nw * _L * _NHALF) == 0
    bpw = seq_len // nw
    hpw = bpw // _NHALF
    ngroups = hpw // _L
    assert dim % _L == 0
    nr = dim // _L

    mesh = plsc.VectorSubcoreMesh(core_axis_name="c", subcore_axis_name="s")

    @functools.partial(
        pl.kernel,
        mesh=mesh,
        out_type=jax.ShapeDtypeStruct((dim, seq_len), jnp.float32),
        scratch_types=[
            pltpu.VMEM((bpw,), jnp.int32),
            pltpu.VMEM((_NBUF * dim, _TILE), jnp.float32),
            pltpu.VMEM((dim, hpw), jnp.float32),
            pltpu.VMEM((dim, hpw), jnp.float32),
            [pltpu.SemaphoreType.DMA] * _NBUF,
            pltpu.SemaphoreType.DMA,
        ],
        compiler_params=pltpu.CompilerParams(needs_layout_passes=False),
    )
    def emb(x_hbm, wt_hbm, pt_hbm, out_hbm, idx_v, ring_v, buf_v, pos_v, sems, psem):
        wid = lax.axis_index("s") * nc + lax.axis_index("c")
        base = wid * bpw

        pltpu.sync_copy(x_hbm.at[pl.ds(base, bpw)], idx_v)

        iota = lax.iota(jnp.int32, _L)
        nfire = min(_NBUF, _L)

        def fire(k, t128):
            tk = pl.multiple_of(t128[k], _TILE)
            b = k % _NBUF
            pltpu.async_copy(
                wt_hbm.at[:, pl.ds(tk, _TILE)],
                ring_v.at[pl.ds(b * dim, dim), :],
                sems[b],
            )

        def half(h):
            hbase = base + h * hpw
            pltpu.async_copy(pt_hbm.at[:, pl.ds(hbase, hpw)], pos_v, psem).wait()

            def group(gl):
                vec = idx_v[pl.ds(h * hpw + gl * _L, _L)]
                t128 = vec & jnp.int32(-_TILE)
                lanes = vec & jnp.int32(_TILE - 1)
                for k in range(nfire):
                    fire(k, t128)
                for k in range(_L):
                    b = k % _NBUF
                    pltpu.make_async_copy(
                        wt_hbm.at[:, pl.ds(0, _TILE)],
                        ring_v.at[pl.ds(b * dim, dim), :],
                        sems[b],
                    ).wait()
                    col = jnp.full((_L,), gl * _L + k, jnp.int32)
                    lane = jnp.full((_L,), lanes[k], jnp.int32)
                    for r in range(nr):
                        rows = iota + (b * dim + r * _L)
                        val = plsc.load_gather(ring_v, [rows, lane])
                        prow = iota + r * _L
                        plsc.store_scatter(buf_v, [prow, col], val)
                    if k + _NBUF < _L:
                        fire(k + _NBUF, t128)

            pl.loop(0, ngroups)(group)

            def add_row(c):
                for j in range(hpw // _L):
                    sl = pl.ds(j * _L, _L)
                    buf_v[c, sl] = buf_v[c, sl] + pos_v[c, sl]

            pl.loop(0, dim)(add_row)
            pltpu.sync_copy(buf_v, out_hbm.at[:, pl.ds(hbase, hpw)])

        pl.loop(0, _NHALF)(half)

    return emb


def kernel(x, word_table, pos_table):
    seq_len = x.shape[0]
    vocab, dim = word_table.shape
    emb = _build(seq_len, vocab, dim)
    out_t = emb(x.astype(jnp.int32), word_table.T, pos_table[:seq_len].T)
    return out_t.T

# --- scband reference (transcript-rebuilt; emitter-appended) ---
"""Pipeline reference for scband-positional-embedding-1640677507100 (READ-ONLY COPY).

The authoritative reference and input builder live on the scoring server;
editing this copy changes nothing except your own understanding.
"""

import jax, jax.numpy as jnp
import numpy as np

VOCAB_SIZE = 1000000
EMBED_DIM = 64
MAX_SEQ_LEN = 8192
SEQ_LEN = 8192


def setup_inputs(seed: int = 0) -> dict:
    key = jax.random.key(seed)
    k_x, k_w, k_p = jax.random.split(key, 3)
    x = jax.random.randint(k_x, (SEQ_LEN,), 0, VOCAB_SIZE, dtype=jnp.int64 if jax.config.jax_enable_x64 else jnp.int32)
    word_table = jax.random.normal(k_w, (VOCAB_SIZE, EMBED_DIM), dtype=jnp.float32)
    pos_table = jax.random.normal(k_p, (MAX_SEQ_LEN, EMBED_DIM), dtype=jnp.float32)
    return {"x": x, "word_table": word_table, "pos_table": pos_table}


def reference(x, word_table, pos_table):
    # word embedding lookup (gather)
    word_embeddings = jnp.take(word_table, x, axis=0)
    # positional embedding slice for first seq_len positions
    pos_embeddings = pos_table[: x.shape[0]]
    return word_embeddings + pos_embeddings

if __name__ == "__main__":
    import jax
    _d = setup_inputs()
    print(jax.jit(kernel)(*tuple(_d.values())))

</pallas_src>

<mosaic_0001>
#map = affine_map<(d0, d1) -> (0)>
#map1 = affine_map<(d0, d1) -> (0, 0)>
module attributes {stable_mosaic.version = 14 : i64} {
  func.func @emb(%arg0: i32, %arg1: i32, %arg2: memref<8192xi32, #tpu.memory_space<hbm>>, %arg3: memref<64x1000000xf32, #tpu.memory_space<hbm>>, %arg4: memref<64x8192xf32, #tpu.memory_space<hbm>>, %arg5: memref<64x8192xf32, #tpu.memory_space<hbm>>, %arg6: memref<256xi32, #tpu.memory_space<vmem>>, %arg7: memref<512x128xf32, #tpu.memory_space<vmem>>, %arg8: memref<64x256xf32, #tpu.memory_space<vmem>>, %arg9: memref<64x256xf32, #tpu.memory_space<vmem>>, %arg10: memref<!tpu.dma_semaphore, #tpu.memory_space<semaphore_mem>>, %arg11: memref<!tpu.dma_semaphore, #tpu.memory_space<semaphore_mem>>, %arg12: memref<!tpu.dma_semaphore, #tpu.memory_space<semaphore_mem>>, %arg13: memref<!tpu.dma_semaphore, #tpu.memory_space<semaphore_mem>>, %arg14: memref<!tpu.dma_semaphore, #tpu.memory_space<semaphore_mem>>, %arg15: memref<!tpu.dma_semaphore, #tpu.memory_space<semaphore_mem>>, %arg16: memref<!tpu.dma_semaphore, #tpu.memory_space<semaphore_mem>>, %arg17: memref<!tpu.dma_semaphore, #tpu.memory_space<semaphore_mem>>, %arg18: memref<!tpu.dma_semaphore, #tpu.memory_space<semaphore_mem>>) attributes {dimension_semantics = [#tpu.dimension_semantics<core_parallel>, #tpu.dimension_semantics<subcore_parallel>], iteration_bounds = array<i64: 2, 16>, scalar_prefetch = 0 : i64, scratch_operands = 13 : i64, tpu.core_type = #tpu.core_type<sc_vector_subcore>, window_params = [{transform_indices = #map}, {transform_indices = #map1}, {transform_indices = #map1}, {transform_indices = #map1}]} {
    %mul3A = arith.constant 2 : i32
    %mul3A_0 = arith.muli %arg1, %mul3A : i32
    %add3A = arith.addi %mul3A_0, %arg0 : i32
    %mul3A_1 = arith.constant 256 : i32
    %mul3A_2 = arith.muli %add3A, %mul3A_1 : i32
    "tpu.region"() ({
      %run_scoped3A = tpu.sem_alloc : memref<!tpu.dma_semaphore, #tpu.memory_space<semaphore_mem>>
      %dma_start3A_27 = tpu.memref_slice %arg2[%mul3A_2] : memref<8192xi32, #tpu.memory_space<hbm>> -> memref<256xi32, #tpu.memory_space<hbm>>
      %dma_start3A_28 = tpu.memref_slice %arg2[%mul3A_2] : memref<8192xi32, #tpu.memory_space<hbm>> -> memref<256xi32, #tpu.memory_space<hbm>>
      tpu.enqueue_dma source(%dma_start3A_28 : memref<256xi32, #tpu.memory_space<hbm>>) target(%arg6 : memref<256xi32, #tpu.memory_space<vmem>>) target_semaphore(%run_scoped3A : memref<!tpu.dma_semaphore, #tpu.memory_space<semaphore_mem>>)
      %dma_wait3A_29 = tpu.memref_slice %arg2[%mul3A_2] : memref<8192xi32, #tpu.memory_space<hbm>> -> memref<256xi32, #tpu.memory_space<hbm>>
      %dma_wait3A_30 = tpu.memref_slice %arg2[%mul3A_2] : memref<8192xi32, #tpu.memory_space<hbm>> -> memref<256xi32, #tpu.memory_space<hbm>>
      tpu.wait_dma2 semaphore(%run_scoped3A : memref<!tpu.dma_semaphore, #tpu.memory_space<semaphore_mem>>) src(%dma_wait3A_30 : memref<256xi32, #tpu.memory_space<hbm>>) dst(%arg6 : memref<256xi32, #tpu.memory_space<vmem>>)
      tpu.yield
    }) : () -> ()
    %iota3A = tpu.iota {dimensions = array<i32: 0>} : vector<16xi32>
    %scan3A = arith.constant 0 : i32
    %mul3A_3 = arith.constant 1 : i32
    %mul3A_4 = arith.muli %scan3A, %mul3A_3 : i32
    %add3A_5 = arith.constant 0 : i32
    %add3A_6 = arith.addi %add3A_5, %mul3A_4 : i32
    %mul3A_7 = arith.constant 256 : i32
    %mul3A_8 = arith.muli %add3A_6, %mul3A_7 : i32
    %add3A_9 = arith.addi %mul3A_2, %mul3A_8 : i32
    %dma_start3A = arith.constant 0 : i32
    %dma_start3A_10 = tpu.memref_slice %arg4[%dma_start3A, %add3A_9] : memref<64x8192xf32, #tpu.memory_space<hbm>> -> memref<64x256xf32, #tpu.memory_space<hbm>>
    %dma_start3A_11 = arith.constant 0 : i32
    %dma_start3A_12 = tpu.memref_slice %arg4[%dma_start3A_11, %add3A_9] : memref<64x8192xf32, #tpu.memory_space<hbm>> -> memref<64x256xf32, #tpu.memory_space<hbm>>
    tpu.enqueue_dma source(%dma_start3A_12 : memref<64x256xf32, #tpu.memory_space<hbm>>) target(%arg9 : memref<64x256xf32, #tpu.memory_space<vmem>>) target_semaphore(%arg18 : memref<!tpu.dma_semaphore, #tpu.memory_space<semaphore_mem>>)
    %dma_wait3A = arith.constant 0 : i32
    %dma_wait3A_13 = tpu.memref_slice %arg4[%dma_wait3A, %add3A_9] : memref<64x8192xf32, #tpu.memory_space<hbm>> -> memref<64x256xf32, #tpu.memory_space<hbm>>
    %dma_wait3A_14 = arith.constant 0 : i32
    %dma_wait3A_15 = tpu.memref_slice %arg4[%dma_wait3A_14, %add3A_9] : memref<64x8192xf32, #tpu.memory_space<hbm>> -> memref<64x256xf32, #tpu.memory_space<hbm>>
    tpu.wait_dma2 semaphore(%arg18 : memref<!tpu.dma_semaphore, #tpu.memory_space<semaphore_mem>>) src(%dma_wait3A_15 : memref<64x256xf32, #tpu.memory_space<hbm>>) dst(%arg9 : memref<64x256xf32, #tpu.memory_space<vmem>>)
    %scan3A_16 = arith.constant 0 : i32
    %scan3A_17 = arith.constant 16 : i32
    %scan3A_18 = arith.addi %scan3A_16, %scan3A_17 : i32
    %scan3A_19 = arith.constant 1 : i32
    scf.for %scan3A_27 = %scan3A_16 to %scan3A_18 step %scan3A_19  : i32 {
      %mul3A_28 = arith.constant 1 : i32
      %mul3A_29 = arith.muli %scan3A_27, %mul3A_28 : i32
      %add3A_30 = arith.constant 0 : i32
      %add3A_31 = arith.addi %add3A_30, %mul3A_29 : i32
      %mul3A_32 = arith.constant 256 : i32
      %mul3A_33 = arith.muli %add3A_6, %mul3A_32 : i32
      %mul3A_34 = arith.constant 16 : i32
      %mul3A_35 = arith.muli %add3A_31, %mul3A_34 : i32
      %add3A_36 = arith.addi %mul3A_33, %mul3A_35 : i32
      %get3A = arith.index_cast %add3A_36 : i32 to index
      %get3A_37 = tpu.vector_load %arg6[%get3A] {strides = array<i32>} : memref<256xi32, #tpu.memory_space<vmem>>, vector<16xi32>,
      %and3A = arith.constant -128 : i32
      %and3A_38 = vector.broadcast %and3A : i32 to vector<16xi32>
      %and3A_39 = arith.andi %get3A_37, %and3A_38 : vector<16xi32>
      %and3A_40 = arith.constant 127 : i32
      %and3A_41 = vector.broadcast %and3A_40 : i32 to vector<16xi32>
      %and3A_42 = arith.andi %get3A_37, %and3A_41 : vector<16xi32>
      %slice3A = vector.extract_strided_slice %and3A_39 {offsets = [0], sizes = [1], strides = [1]} : vector<16xi32> to vector<1xi32>
      %squeeze3A = vector.extract %slice3A[0] : i32 from vector<1xi32>
      %multiple_of3A = tpu.assume_multiple %squeeze3A, 128 : i32
      %dma_start3A_43 = arith.constant 0 : i32
      %dma_start3A_44 = arith.constant 0 : i32
      %dma_start3A_45 = tpu.memref_slice %arg7[%dma_start3A_43, %dma_start3A_44] : memref<512x128xf32, #tpu.memory_space<vmem>> -> memref<64x128xf32, #tpu.memory_space<vmem>>
      %dma_start3A_46 = arith.constant 0 : i32
      %dma_start3A_47 = tpu.memref_slice %arg3[%dma_start3A_46, %multiple_of3A] : memref<64x1000000xf32, #tpu.memory_space<hbm>> -> memref<64x128xf32, #tpu.memory_space<hbm>>
      %dma_start3A_48 = arith.constant 0 : i32
      %dma_start3A_49 = arith.constant 0 : i32
      %dma_start3A_50 = tpu.memref_slice %arg7[%dma_start3A_48, %dma_start3A_49] : memref<512x128xf32, #tpu.memory_space<vmem>> -> memref<64x128xf32, #tpu.memory_space<vmem>>
      %dma_start3A_51 = arith.constant 0 : i32
      %dma_start3A_52 = tpu.memref_slice %arg3[%dma_start3A_51, %multiple_of3A] : memref<64x1000000xf32, #tpu.memory_space<hbm>> -> memref<64x128xf32, #tpu.memory_space<hbm>>
      tpu.enqueue_dma source(%dma_start3A_52 : memref<64x128xf32, #tpu.memory_space<hbm>>) target(%dma_start3A_50 : memref<64x128xf32, #tpu.memory_space<vmem>>) target_semaphore(%arg10 : memref<!tpu.dma_semaphore, #tpu.memory_space<semaphore_mem>>)
      %slice3A_53 = vector.extract_strided_slice %and3A_39 {offsets = [1], sizes = [1], strides = [1]} : vector<16xi32> to vector<1xi32>
      %squeeze3A_54 = vector.extract %slice3A_53[0] : i32 from vector<1xi32>
      %multiple_of3A_55 = tpu.assume_multiple %squeeze3A_54, 128 : i32
      %dma_start3A_56 = arith.constant 64 : i32
      %dma_start3A_57 = arith.constant 0 : i32
      %dma_start3A_58 = tpu.memref_slice %arg7[%dma_start3A_56, %dma_start3A_57] : memref<512x128xf32, #tpu.memory_space<vmem>> -> memref<64x128xf32, #tpu.memory_space<vmem>>
      %dma_start3A_59 = arith.constant 0 : i32
      %dma_start3A_60 = tpu.memref_slice %arg3[%dma_start3A_59, %multiple_of3A_55] : memref<64x1000000xf32, #tpu.memory_space<hbm>> -> memref<64x128xf32, #tpu.memory_space<hbm>>
      %dma_start3A_61 = arith.constant 64 : i32
      %dma_start3A_62 = arith.constant 0 : i32
      %dma_start3A_63 = tpu.memref_slice %arg7[%dma_start3A_61, %dma_start3A_62] : memref<512x128xf32, #tpu.memory_space<vmem>> -> memref<64x128xf32, #tpu.memory_space<vmem>>
      %dma_start3A_64 = arith.constant 0 : i32
      %dma_start3A_65 = tpu.memref_slice %arg3[%dma_start3A_64, %multiple_of3A_55] : memref<64x1000000xf32, #tpu.memory_space<hbm>> -> memref<64x128xf32, #tpu.memory_space<hbm>>
      tpu.enqueue_dma source(%dma_start3A_65 : memref<64x128xf32, #tpu.memory_space<hbm>>) target(%dma_start3A_63 : memref<64x128xf32, #tpu.memory_space<vmem>>) target_semaphore(%arg11 : memref<!tpu.dma_semaphore, #tpu.memory_space<semaphore_mem>>)
      %slice3A_66 = vector.extract_strided_slice %and3A_39 {offsets = [2], sizes = [1], strides = [1]} : vector<16xi32> to vector<1xi32>
      %squeeze3A_67 = vector.extract %slice3A_66[0] : i32 from vector<1xi32>
      %multiple_of3A_68 = tpu.assume_multiple %squeeze3A_67, 128 : i32
      %dma_start3A_69 = arith.constant 128 : i32
      %dma_start3A_70 = arith.constant 0 : i32
      %dma_start3A_71 = tpu.memref_slice %arg7[%dma_start3A_69, %dma_start3A_70] : memref<512x128xf32, #tpu.memory_space<vmem>> -> memref<64x128xf32, #tpu.memory_space<vmem>>
      %dma_start3A_72 = arith.constant 0 : i32
      %dma_start3A_73 = tpu.memref_slice %arg3[%dma_start3A_72, %multiple_of3A_68] : memref<64x1000000xf32, #tpu.memory_space<hbm>> -> memref<64x128xf32, #tpu.memory_space<hbm>>
      %dma_start3A_74 = arith.constant 128 : i32
      %dma_start3A_75 = arith.constant 0 : i32
      %dma_start3A_76 = tpu.memref_slice %arg7[%dma_start3A_74, %dma_start3A_75] : memref<512x128xf32, #tpu.memory_space<vmem>> -> memref<64x128xf32, #tpu.memory_space<vmem>>
      %dma_start3A_77 = arith.constant 0 : i32
      %dma_start3A_78 = tpu.memref_slice %arg3[%dma_start3A_77, %multiple_of3A_68] : memref<64x1000000xf32, #tpu.memory_space<hbm>> -> memref<64x128xf32, #tpu.memory_space<hbm>>
      tpu.enqueue_dma source(%dma_start3A_78 : memref<64x128xf32, #tpu.memory_space<hbm>>) target(%dma_start3A_76 : memref<64x128xf32, #tpu.memory_space<vmem>>) target_semaphore(%arg12 : memref<!tpu.dma_semaphore, #tpu.memory_space<semaphore_mem>>)
      %slice3A_79 = vector.extract_strided_slice %and3A_39 {offsets = [3], sizes = [1], strides = [1]} : vector<16xi32> to vector<1xi32>
      %squeeze3A_80 = vector.extract %slice3A_79[0] : i32 from vector<1xi32>
      %multiple_of3A_81 = tpu.assume_multiple %squeeze3A_80, 128 : i32
      %dma_start3A_82 = arith.constant 192 : i32
      %dma_start3A_83 = arith.constant 0 : i32
      %dma_start3A_84 = tpu.memref_slice %arg7[%dma_start3A_82, %dma_start3A_83] : memref<512x128xf32, #tpu.memory_space<vmem>> -> memref<64x128xf32, #tpu.memory_space<vmem>>
      %dma_start3A_85 = arith.constant 0 : i32
      %dma_start3A_86 = tpu.memref_slice %arg3[%dma_start3A_85, %multiple_of3A_81] : memref<64x1000000xf32, #tpu.memory_space<hbm>> -> memref<64x128xf32, #tpu.memory_space<hbm>>
      %dma_start3A_87 = arith.constant 192 : i32
      %dma_start3A_88 = arith.constant 0 : i32
      %dma_start3A_89 = tpu.memref_slice %arg7[%dma_start3A_87, %dma_start3A_88] : memref<512x128xf32, #tpu.memory_space<vmem>> -> memref<64x128xf32, #tpu.memory_space<vmem>>
      %dma_start3A_90 = arith.constant 0 : i32
      %dma_start3A_91 = tpu.memref_slice %arg3[%dma_start3A_90, %multiple_of3A_81] : memref<64x1000000xf32, #tpu.memory_space<hbm>> -> memref<64x128xf32, #tpu.memory_space<hbm>>
      tpu.enqueue_dma source(%dma_start3A_91 : memref<64x128xf32, #tpu.memory_space<hbm>>) target(%dma_start3A_89 : memref<64x128xf32, #tpu.memory_space<vmem>>) target_semaphore(%arg13 : memref<!tpu.dma_semaphore, #tpu.memory_space<semaphore_mem>>)
      %slice3A_92 = vector.extract_strided_slice %and3A_39 {offsets = [4], sizes = [1], strides = [1]} : vector<16xi32> to vector<1xi32>
      %squeeze3A_93 = vector.extract %slice3A_92[0] : i32 from vector<1xi32>
      %multiple_of3A_94 = tpu.assume_multiple %squeeze3A_93, 128 : i32
      %dma_start3A_95 = arith.constant 256 : i32
      %dma_start3A_96 = arith.constant 0 : i32
      %dma_start3A_97 = tpu.memref_slice %arg7[%dma_start3A_95, %dma_start3A_96] : memref<512x128xf32, #tpu.memory_space<vmem>> -> memref<64x128xf32, #tpu.memory_space<vmem>>
      %dma_start3A_98 = arith.constant 0 : i32
      %dma_start3A_99 = tpu.memref_slice %arg3[%dma_start3A_98, %multiple_of3A_94] : memref<64x1000000xf32, #tpu.memory_space<hbm>> -> memref<64x128xf32, #tpu.memory_space<hbm>>
      %dma_start3A_100 = arith.constant 256 : i32
      %dma_start3A_101 = arith.constant 0 : i32
      %dma_start3A_102 = tpu.memref_slice %arg7[%dma_start3A_100, %dma_start3A_101] : memref<512x128xf32, #tpu.memory_space<vmem>> -> memref<64x128xf32, #tpu.memory_space<vmem>>
      %dma_start3A_103 = arith.constant 0 : i32
      %dma_start3A_104 = tpu.memref_slice %arg3[%dma_start3A_103, %multiple_of3A_94] : memref<64x1000000xf32, #tpu.memory_space<hbm>> -> memref<64x128xf32, #tpu.memory_space<hbm>>
      tpu.enqueue_dma source(%dma_start3A_104 : memref<64x128xf32, #tpu.memory_space<hbm>>) target(%dma_start3A_102 : memref<64x128xf32, #tpu.memory_space<vmem>>) target_semaphore(%arg14 : memref<!tpu.dma_semaphore, #tpu.memory_space<semaphore_mem>>)
      %slice3A_105 = vector.extract_strided_slice %and3A_39 {offsets = [5], sizes = [1], strides = [1]} : vector<16xi32> to vector<1xi32>
      %squeeze3A_106 = vector.extract %slice3A_105[0] : i32 from vector<1xi32>
      %multiple_of3A_107 = tpu.assume_multiple %squeeze3A_106, 128 : i32
      %dma_start3A_108 = arith.constant 320 : i32
      %dma_start3A_109 = arith.constant 0 : i32
      %dma_start3A_110 = tpu.memref_slice %arg7[%dma_start3A_108, %dma_start3A_109] : memref<512x128xf32, #tpu.memory_space<vmem>> -> memref<64x128xf32, #tpu.memory_space<vmem>>
      %dma_start3A_111 = arith.constant 0 : i32
      %dma_start3A_112 = tpu.memref_slice %arg3[%dma_start3A_111, %multiple_of3A_107] : memref<64x1000000xf32, #tpu.memory_space<hbm>> -> memref<64x128xf32, #tpu.memory_space<hbm>>
      %dma_start3A_113 = arith.constant 320 : i32
      %dma_start3A_114 = arith.constant 0 : i32
      %dma_start3A_115 = tpu.memref_slice %arg7[%dma_start3A_113, %dma_start3A_114] : memref<512x128xf32, #tpu.memory_space<vmem>> -> memref<64x128xf32, #tpu.memory_space<vmem>>
      %dma_start3A_116 = arith.constant 0 : i32
      %dma_start3A_117 = tpu.memref_slice %arg3[%dma_start3A_116, %multiple_of3A_107] : memref<64x1000000xf32, #tpu.memory_space<hbm>> -> memref<64x128xf32, #tpu.memory_space<hbm>>
      tpu.enqueue_dma source(%dma_start3A_117 : memref<64x128xf32, #tpu.memory_space<hbm>>) target(%dma_start3A_115 : memref<64x128xf32, #tpu.memory_space<vmem>>) target_semaphore(%arg15 : memref<!tpu.dma_semaphore, #tpu.memory_space<semaphore_mem>>)
      %slice3A_118 = vector.extract_strided_slice %and3A_39 {offsets = [6], sizes = [1], strides = [1]} : vector<16xi32> to vector<1xi32>
      %squeeze3A_119 = vector.extract %slice3A_118[0] : i32 from vector<1xi32>
      %multiple_of3A_120 = tpu.assume_multiple %squeeze3A_119, 128 : i32
      %dma_start3A_121 = arith.constant 384 : i32
      %dma_start3A_122 = arith.constant 0 : i32
      %dma_start3A_123 = tpu.memref_slice %arg7[%dma_start3A_121, %dma_start3A_122] : memref<512x128xf32, #tpu.memory_space<vmem>> -> memref<64x128xf32, #tpu.memory_space<vmem>>
      %dma_start3A_124 = arith.constant 0 : i32
      %dma_start3A_125 = tpu.memref_slice %arg3[%dma_start3A_124, %multiple_of3A_120] : memref<64x1000000xf32, #tpu.memory_space<hbm>> -> memref<64x128xf32, #tpu.memory_space<hbm>>
      %dma_start3A_126 = arith.constant 384 : i32
      %dma_start3A_127 = arith.constant 0 : i32
      %dma_start3A_128 = tpu.memref_slice %arg7[%dma_start3A_126, %dma_start3A_127] : memref<512x128xf32, #tpu.memory_space<vmem>> -> memref<64x128xf32, #tpu.memory_space<vmem>>
      %dma_start3A_129 = arith.constant 0 : i32
      %dma_start3A_130 = tpu.memref_slice %arg3[%dma_start3A_129, %multiple_of3A_120] : memref<64x1000000xf32, #tpu.memory_space<hbm>> -> memref<64x128xf32, #tpu.memory_space<hbm>>
      tpu.enqueue_dma source(%dma_start3A_130 : memref<64x128xf32, #tpu.memory_space<hbm>>) target(%dma_start3A_128 : memref<64x128xf32, #tpu.memory_space<vmem>>) target_semaphore(%arg16 : memref<!tpu.dma_semaphore, #tpu.memory_space<semaphore_mem>>)
      %slice3A_131 = vector.extract_strided_slice %and3A_39 {offsets = [7], sizes = [1], strides = [1]} : vector<16xi32> to vector<1xi32>
      %squeeze3A_132 = vector.extract %slice3A_131[0] : i32 from vector<1xi32>
      %multiple_of3A_133 = tpu.assume_multiple %squeeze3A_132, 128 : i32
      %dma_start3A_134 = arith.constant 448 : i32
      %dma_start3A_135 = arith.constant 0 : i32
      %dma_start3A_136 = tpu.memref_slice %arg7[%dma_start3A_134, %dma_start3A_135] : memref<512x128xf32, #tpu.memory_space<vmem>> -> memref<64x128xf32, #tpu.memory_space<vmem>>
      %dma_start3A_137 = arith.constant 0 : i32
      %dma_start3A_138 = tpu.memref_slice %arg3[%dma_start3A_137, %multiple_of3A_133] : memref<64x1000000xf32, #tpu.memory_space<hbm>> -> memref<64x128xf32, #tpu.memory_space<hbm>>
      %dma_start3A_139 = arith.constant 448 : i32
      %dma_start3A_140 = arith.constant 0 : i32
      %dma_start3A_141 = tpu.memref_slice %arg7[%dma_start3A_139, %dma_start3A_140] : memref<512x128xf32, #tpu.memory_space<vmem>> -> memref<64x128xf32, #tpu.memory_space<vmem>>
      %dma_start3A_142 = arith.constant 0 : i32
      %dma_start3A_143 = tpu.memref_slice %arg3[%dma_start3A_142, %multiple_of3A_133] : memref<64x1000000xf32, #tpu.memory_space<hbm>> -> memref<64x128xf32, #tpu.memory_space<hbm>>
      tpu.enqueue_dma source(%dma_start3A_143 : memref<64x128xf32, #tpu.memory_space<hbm>>) target(%dma_start3A_141 : memref<64x128xf32, #tpu.memory_space<vmem>>) target_semaphore(%arg17 : memref<!tpu.dma_semaphore, #tpu.memory_space<semaphore_mem>>)
      %dma_wait3A_144 = arith.constant 0 : i32
      %dma_wait3A_145 = arith.constant 0 : i32
      %dma_wait3A_146 = tpu.memref_slice %arg7[%dma_wait3A_144, %dma_wait3A_145] : memref<512x128xf32, #tpu.memory_space<vmem>> -> memref<64x128xf32, #tpu.memory_space<vmem>>
      %dma_wait3A_147 = arith.constant 0 : i32
      %dma_wait3A_148 = arith.constant 0 : i32
      %dma_wait3A_149 = tpu.memref_slice %arg3[%dma_wait3A_147, %dma_wait3A_148] : memref<64x1000000xf32, #tpu.memory_space<hbm>> -> memref<64x128xf32, #tpu.memory_space<hbm>>
      %dma_wait3A_150 = arith.constant 0 : i32
      %dma_wait3A_151 = arith.constant 0 : i32
      %dma_wait3A_152 = tpu.memref_slice %arg7[%dma_wait3A_150, %dma_wait3A_151] : memref<512x128xf32, #tpu.memory_space<vmem>> -> memref<64x128xf32, #tpu.memory_space<vmem>>
      %dma_wait3A_153 = arith.constant 0 : i32
      %dma_wait3A_154 = arith.constant 0 : i32
      %dma_wait3A_155 = tpu.memref_slice %arg3[%dma_wait3A_153, %dma_wait3A_154] : memref<64x1000000xf32, #tpu.memory_space<hbm>> -> memref<64x128xf32, #tpu.memory_space<hbm>>
      tpu.wait_dma2 semaphore(%arg10 : memref<!tpu.dma_semaphore, #tpu.memory_space<semaphore_mem>>) src(%dma_wait3A_155 : memref<64x128xf32, #tpu.memory_space<hbm>>) dst(%dma_wait3A_152 : memref<64x128xf32, #tpu.memory_space<vmem>>)
      %mul3A_156 = arith.constant 16 : i32
      %mul3A_157 = arith.muli %add3A_31, %mul3A_156 : i32
      %add3A_158 = arith.constant 0 : i32
      %add3A_159 = arith.addi %mul3A_157, %add3A_158 : i32
      %broadcast_in_dim3A = vector.broadcast %add3A_159 : i32 to vector<16xi32>
      %slice3A_160 = vector.extract_strided_slice %and3A_42 {offsets = [0], sizes = [1], strides = [1]} : vector<16xi32> to vector<1xi32>
      %squeeze3A_161 = vector.extract %slice3A_160[0] : i32 from vector<1xi32>
      %broadcast_in_dim3A_162 = vector.broadcast %squeeze3A_161 : i32 to vector<16xi32>
      %add3A_163 = arith.constant 0 : i32
      %add3A_164 = vector.broadcast %add3A_163 : i32 to vector<16xi32>
      %add3A_165 = arith.addi %iota3A, %add3A_164 : vector<16xi32>
      %gather3A = tpu.vector_load_idx %arg7[%add3A_165, %broadcast_in_dim3A_162] : memref<512x128xf32, #tpu.memory_space<vmem>>[vector<16xi32>, vector<16xi32>], vector<16xf32>,
      %add3A_166 = arith.constant 0 : i32
      %add3A_167 = vector.broadcast %add3A_166 : i32 to vector<16xi32>
      %add3A_168 = arith.addi %iota3A, %add3A_167 : vector<16xi32>
      tpu.vector_store_idx %arg8[%add3A_168, %broadcast_in_dim3A], %gather3A : memref<64x256xf32, #tpu.memory_space<vmem>>[vector<16xi32>, vector<16xi32>], vector<16xf32>,
      %add3A_169 = arith.constant 16 : i32
      %add3A_170 = vector.broadcast %add3A_169 : i32 to vector<16xi32>
      %add3A_171 = arith.addi %iota3A, %add3A_170 : vector<16xi32>
      %gather3A_172 = tpu.vector_load_idx %arg7[%add3A_171, %broadcast_in_dim3A_162] : memref<512x128xf32, #tpu.memory_space<vmem>>[vector<16xi32>, vector<16xi32>], vector<16xf32>,
      %add3A_173 = arith.constant 16 : i32
      %add3A_174 = vector.broadcast %add3A_173 : i32 to vector<16xi32>
      %add3A_175 = arith.addi %iota3A, %add3A_174 : vector<16xi32>
      tpu.vector_store_idx %arg8[%add3A_175, %broadcast_in_dim3A], %gather3A_172 : memref<64x256xf32, #tpu.memory_space<vmem>>[vector<16xi32>, vector<16xi32>], vector<16xf32>,
      %add3A_176 = arith.constant 32 : i32
      %add3A_177 = vector.broadcast %add3A_176 : i32 to vector<16xi32>
      %add3A_178 = arith.addi %iota3A, %add3A_177 : vector<16xi32>
      %gather3A_179 = tpu.vector_load_idx %arg7[%add3A_178, %broadcast_in_dim3A_162] : memref<512x128xf32, #tpu.memory_space<vmem>>[vector<16xi32>, vector<16xi32>], vector<16xf32>,
      %add3A_180 = arith.constant 32 : i32
      %add3A_181 = vector.broadcast %add3A_180 : i32 to vector<16xi32>
      %add3A_182 = arith.addi %iota3A, %add3A_181 : vector<16xi32>
      tpu.vector_store_idx %arg8[%add3A_182, %broadcast_in_dim3A], %gather3A_179 : memref<64x256xf32, #tpu.memory_space<vmem>>[vector<16xi32>, vector<16xi32>], vector<16xf32>,
      %add3A_183 = arith.constant 48 : i32
      %add3A_184 = vector.broadcast %add3A_183 : i32 to vector<16xi32>
      %add3A_185 = arith.addi %iota3A, %add3A_184 : vector<16xi32>
      %gather3A_186 = tpu.vector_load_idx %arg7[%add3A_185, %broadcast_in_dim3A_162] : memref<512x128xf32, #tpu.memory_space<vmem>>[vector<16xi32>, vector<16xi32>], vector<16xf32>,
      %add3A_187 = arith.constant 48 : i32
      %add3A_188 = vector.broadcast %add3A_187 : i32 to vector<16xi32>
      %add3A_189 = arith.addi %iota3A, %add3A_188 : vector<16xi32>
      tpu.vector_store_idx %arg8[%add3A_189, %broadcast_in_dim3A], %gather3A_186 : memref<64x256xf32, #tpu.memory_space<vmem>>[vector<16xi32>, vector<16xi32>], vector<16xf32>,
      %slice3A_190 = vector.extract_strided_slice %and3A_39 {offsets = [8], sizes = [1], strides = [1]} : vector<16xi32> to vector<1xi32>
      %squeeze3A_191 = vector.extract %slice3A_190[0] : i32 from vector<1xi32>
      %multiple_of3A_192 = tpu.assume_multiple %squeeze3A_191, 128 : i32
      %dma_start3A_193 = arith.constant 0 : i32
      %dma_start3A_194 = arith.constant 0 : i32
      %dma_start3A_195 = tpu.memref_slice %arg7[%dma_start3A_193, %dma_start3A_194] : memref<512x128xf32, #tpu.memory_space<vmem>> -> memref<64x128xf32, #tpu.memory_space<vmem>>
      %dma_start3A_196 = arith.constant 0 : i32
      %dma_start3A_197 = tpu.memref_slice %arg3[%dma_start3A_196, %multiple_of3A_192] : memref<64x1000000xf32, #tpu.memory_space<hbm>> -> memref<64x128xf32, #tpu.memory_space<hbm>>
      %dma_start3A_198 = arith.constant 0 : i32
      %dma_start3A_199 = arith.constant 0 : i32
      %dma_start3A_200 = tpu.memref_slice %arg7[%dma_start3A_198, %dma_start3A_199] : memref<512x128xf32, #tpu.memory_space<vmem>> -> memref<64x128xf32, #tpu.memory_space<vmem>>
      %dma_start3A_201 = arith.constant 0 : i32
      %dma_start3A_202 = tpu.memref_slice %arg3[%dma_start3A_201, %multiple_of3A_192] : memref<64x1000000xf32, #tpu.memory_space<hbm>> -> memref<64x128xf32, #tpu.memory_space<hbm>>
      tpu.enqueue_dma source(%dma_start3A_202 : memref<64x128xf32, #tpu.memory_space<hbm>>) target(%dma_start3A_200 : memref<64x128xf32, #tpu.memory_space<vmem>>) target_semaphore(%arg10 : memref<!tpu.dma_semaphore, #tpu.memory_space<semaphore_mem>>)
      %dma_wait3A_203 = arith.constant 64 : i32
      %dma_wait3A_204 = arith.constant 0 : i32
      %dma_wait3A_205 = tpu.memref_slice %arg7[%dma_wait3A_203, %dma_wait3A_204] : memref<512x128xf32, #tpu.memory_space<vmem>> -> memref<64x128xf32, #tpu.memory_space<vmem>>
      %dma_wait3A_206 = arith.constant 0 : i32
      %dma_wait3A_207 = arith.constant 0 : i32
      %dma_wait3A_208 = tpu.memref_slice %arg3[%dma_wait3A_206, %dma_wait3A_207] : memref<64x1000000xf32, #tpu.memory_space<hbm>> -> memref<64x128xf32, #tpu.memory_space<hbm>>
      %dma_wait3A_209 = arith.constant 64 : i32
      %dma_wait3A_210 = arith.constant 0 : i32
      %dma_wait3A_211 = tpu.memref_slice %arg7[%dma_wait3A_209, %dma_wait3A_210] : memref<512x128xf32, #tpu.memory_space<vmem>> -> memref<64x128xf32, #tpu.memory_space<vmem>>
      %dma_wait3A_212 = arith.constant 0 : i32
      %dma_wait3A_213 = arith.constant 0 : i32
      %dma_wait3A_214 = tpu.memref_slice %arg3[%dma_wait3A_212, %dma_wait3A_213] : memref<64x1000000xf32, #tpu.memory_space<hbm>> -> memref<64x128xf32, #tpu.memory_space<hbm>>
      tpu.wait_dma2 semaphore(%arg11 : memref<!tpu.dma_semaphore, #tpu.memory_space<semaphore_mem>>) src(%dma_wait3A_214 : memref<64x128xf32, #tpu.memory_space<hbm>>) dst(%dma_wait3A_211 : memref<64x128xf32, #tpu.memory_space<vmem>>)
      %mul3A_215 = arith.constant 16 : i32
      %mul3A_216 = arith.muli %add3A_31, %mul3A_215 : i32
      %add3A_217 = arith.constant 1 : i32
      %add3A_218 = arith.addi %mul3A_216, %add3A_217 : i32
      %broadcast_in_dim3A_219 = vector.broadcast %add3A_218 : i32 to vector<16xi32>
      %slice3A_220 = vector.extract_strided_slice %and3A_42 {offsets = [1], sizes = [1], strides = [1]} : vector<16xi32> to vector<1xi32>
      %squeeze3A_221 = vector.extract %slice3A_220[0] : i32 from vector<1xi32>
      %broadcast_in_dim3A_222 = vector.broadcast %squeeze3A_221 : i32 to vector<16xi32>
      %add3A_223 = arith.constant 64 : i32
      %add3A_224 = vector.broadcast %add3A_223 : i32 to vector<16xi32>
      %add3A_225 = arith.addi %iota3A, %add3A_224 : vector<16xi32>
      %gather3A_226 = tpu.vector_load_idx %arg7[%add3A_225, %broadcast_in_dim3A_222] : memref<512x128xf32, #tpu.memory_space<vmem>>[vector<16xi32>, vector<16xi32>], vector<16xf32>,
      %add3A_227 = arith.constant 0 : i32
      %add3A_228 = vector.broadcast %add3A_227 : i32 to vector<16xi32>
      %add3A_229 = arith.addi %iota3A, %add3A_228 : vector<16xi32>
      tpu.vector_store_idx %arg8[%add3A_229, %broadcast_in_dim3A_219], %gather3A_226 : memref<64x256xf32, #tpu.memory_space<vmem>>[vector<16xi32>, vector<16xi32>], vector<16xf32>,
      %add3A_230 = arith.constant 80 : i32
      %add3A_231 = vector.broadcast %add3A_230 : i32 to vector<16xi32>
      %add3A_232 = arith.addi %iota3A, %add3A_231 : vector<16xi32>
      %gather3A_233 = tpu.vector_load_idx %arg7[%add3A_232, %broadcast_in_dim3A_222] : memref<512x128xf32, #tpu.memory_space<vmem>>[vector<16xi32>, vector<16xi32>], vector<16xf32>,
      %add3A_234 = arith.constant 16 : i32
      %add3A_235 = vector.broadcast %add3A_234 : i32 to vector<16xi32>
      %add3A_236 = arith.addi %iota3A, %add3A_235 : vector<16xi32>
      tpu.vector_store_idx %arg8[%add3A_236, %broadcast_in_dim3A_219], %gather3A_233 : memref<64x256xf32, #tpu.memory_space<vmem>>[vector<16xi32>, vector<16xi32>], vector<16xf32>,
      %add3A_237 = arith.constant 96 : i32
      %add3A_238 = vector.broadcast %add3A_237 : i32 to vector<16xi32>
      %add3A_239 = arith.addi %iota3A, %add3A_238 : vector<16xi32>
      %gather3A_240 = tpu.vector_load_idx %arg7[%add3A_239, %broadcast_in_dim3A_222] : memref<512x128xf32, #tpu.memory_space<vmem>>[vector<16xi32>, vector<16xi32>], vector<16xf32>,
      %add3A_241 = arith.constant 32 : i32
      %add3A_242 = vector.broadcast %add3A_241 : i32 to vector<16xi32>
      %add3A_243 = arith.addi %iota3A, %add3A_242 : vector<16xi32>
      tpu.vector_store_idx %arg8[%add3A_243, %broadcast_in_dim3A_219], %gather3A_240 : memref<64x256xf32, #tpu.memory_space<vmem>>[vector<16xi32>, vector<16xi32>], vector<16xf32>,
      %add3A_244 = arith.constant 112 : i32
      %add3A_245 = vector.broadcast %add3A_244 : i32 to vector<16xi32>
      %add3A_246 = arith.addi %iota3A, %add3A_245 : vector<16xi32>
      %gather3A_247 = tpu.vector_load_idx %arg7[%add3A_246, %broadcast_in_dim3A_222] : memref<512x128xf32, #tpu.memory_space<vmem>>[vector<16xi32>, vector<16xi32>], vector<16xf32>,
      %add3A_248 = arith.constant 48 : i32
      %add3A_249 = vector.broadcast %add3A_248 : i32 to vector<16xi32>
      %add3A_250 = arith.addi %iota3A, %add3A_249 : vector<16xi32>
      tpu.vector_store_idx %arg8[%add3A_250, %broadcast_in_dim3A_219], %gather3A_247 : memref<64x256xf32, #tpu.memory_space<vmem>>[vector<16xi32>, vector<16xi32>], vector<16xf32>,
      %slice3A_251 = vector.extract_strided_slice %and3A_39 {offsets = [9], sizes = [1], strides = [1]} : vector<16xi32> to vector<1xi32>
      %squeeze3A_252 = vector.extract %slice3A_251[0] : i32 from vector<1xi32>
      %multiple_of3A_253 = tpu.assume_multiple %squeeze3A_252, 128 : i32
      %dma_start3A_254 = arith.constant 64 : i32
      %dma_start3A_255 = arith.constant 0 : i32
      %dma_start3A_256 = tpu.memref_slice %arg7[%dma_start3A_254, %dma_start3A_255] : memref<512x128xf32, #tpu.memory_space<vmem>> -> memref<64x128xf32, #tpu.memory_space<vmem>>
      %dma_start3A_257 = arith.constant 0 : i32
      %dma_start3A_258 = tpu.memref_slice %arg3[%dma_start3A_257, %multiple_of3A_253] : memref<64x1000000xf32, #tpu.memory_space<hbm>> -> memref<64x128xf32, #tpu.memory_space<hbm>>
      %dma_start3A_259 = arith.constant 64 : i32
      %dma_start3A_260 = arith.constant 0 : i32
      %dma_start3A_261 = tpu.memref_slice %arg7[%dma_start3A_259, %dma_start3A_260] : memref<512x128xf32, #tpu.memory_space<vmem>> -> memref<64x128xf32, #tpu.memory_space<vmem>>
      %dma_start3A_262 = arith.constant 0 : i32
      %dma_start3A_263 = tpu.memref_slice %arg3[%dma_start3A_262, %multiple_of3A_253] : memref<64x1000000xf32, #tpu.memory_space<hbm>> -> memref<64x128xf32, #tpu.memory_space<hbm>>
      tpu.enqueue_dma source(%dma_start3A_263 : memref<64x128xf32, #tpu.memory_space<hbm>>) target(%dma_start3A_261 : memref<64x128xf32, #tpu.memory_space<vmem>>) target_semaphore(%arg11 : memref<!tpu.dma_semaphore, #tpu.memory_space<semaphore_mem>>)
      %dma_wait3A_264 = arith.constant 128 : i32
      %dma_wait3A_265 = arith.constant 0 : i32
      %dma_wait3A_266 = tpu.memref_slice %arg7[%dma_wait3A_264, %dma_wait3A_265] : memref<512x128xf32, #tpu.memory_space<vmem>> -> memref<64x128xf32, #tpu.memory_space<vmem>>
      %dma_wait3A_267 = arith.constant 0 : i32
      %dma_wait3A_268 = arith.constant 0 : i32
      %dma_wait3A_269 = tpu.memref_slice %arg3[%dma_wait3A_267, %dma_wait3A_268] : memref<64x1000000xf32, #tpu.memory_space<hbm>> -> memref<64x128xf32, #tpu.memory_space<hbm>>
      %dma_wait3A_270 = arith.constant 128 : i32
      %dma_wait3A_271 = arith.constant 0 : i32
      %dma_wait3A_272 = tpu.memref_slice %arg7[%dma_wait3A_270, %dma_wait3A_271] : memref<512x128xf32, #tpu.memory_space<vmem>> -> memref<64x128xf32, #tpu.memory_space<vmem>>
      %dma_wait3A_273 = arith.constant 0 : i32
      %dma_wait3A_274 = arith.constant 0 : i32
      %dma_wait3A_275 = tpu.memref_slice %arg3[%dma_wait3A_273, %dma_wait3A_274] : memref<64x1000000xf32, #tpu.memory_space<hbm>> -> memref<64x128xf32, #tpu.memory_space<hbm>>
      tpu.wait_dma2 semaphore(%arg12 : memref<!tpu.dma_semaphore, #tpu.memory_space<semaphore_mem>>) src(%dma_wait3A_275 : memref<64x128xf32, #tpu.memory_space<hbm>>) dst(%dma_wait3A_272 : memref<64x128xf32, #tpu.memory_space<vmem>>)
      %mul3A_276 = arith.constant 16 : i32
      %mul3A_277 = arith.muli %add3A_31, %mul3A_276 : i32
      %add3A_278 = arith.constant 2 : i32
      %add3A_279 = arith.addi %mul3A_277, %add3A_278 : i32
      %broadcast_in_dim3A_280 = vector.broadcast %add3A_279 : i32 to vector<16xi32>
      %slice3A_281 = vector.extract_strided_slice %and3A_42 {offsets = [2], sizes = [1], strides = [1]} : vector<16xi32> to vector<1xi32>
      %squeeze3A_282 = vector.extract %slice3A_281[0] : i32 from vector<1xi32>
      %broadcast_in_dim3A_283 = vector.broadcast %squeeze3A_282 : i32 to vector<16xi32>
      %add3A_284 = arith.constant 128 : i32
      %add3A_285 = vector.broadcast %add3A_284 : i32 to vector<16xi32>
      %add3A_286 = arith.addi %iota3A, %add3A_285 : vector<16xi32>
      %gather3A_287 = tpu.vector_load_idx %arg7[%add3A_286, %broadcast_in_dim3A_283] : memref<512x128xf32, #tpu.memory_space<vmem>>[vector<16xi32>, vector<16xi32>], vector<16xf32>,
      %add3A_288 = arith.constant 0 : i32
      %add3A_289 = vector.broadcast %add3A_288 : i32 to vector<16xi32>
      %add3A_290 = arith.addi %iota3A, %add3A_289 : vector<16xi32>
      tpu.vector_store_idx %arg8[%add3A_290, %broadcast_in_dim3A_280], %gather3A_287 : memref<64x256xf32, #tpu.memory_space<vmem>>[vector<16xi32>, vector<16xi32>], vector<16xf32>,
      %add3A_291 = arith.constant 144 : i32
      %add3A_292 = vector.broadcast %add3A_291 : i32 to vector<16xi32>
      %add3A_293 = arith.addi %iota3A, %add3A_292 : vector<16xi32>
      %gather3A_294 = tpu.vector_load_idx %arg7[%add3A_293, %broadcast_in_dim3A_283] : memref<512x128xf32, #tpu.memory_space<vmem>>[vector<16xi32>, vector<16xi32>], vector<16xf32>,
      %add3A_295 = arith.constant 16 : i32
      %add3A_296 = vector.broadcast %add3A_295 : i32 to vector<16xi32>
      %add3A_297 = arith.addi %iota3A, %add3A_296 : vector<16xi32>
      tpu.vector_store_idx %arg8[%add3A_297, %broadcast_in_dim3A_280], %gather3A_294 : memref<64x256xf32, #tpu.memory_space<vmem>>[vector<16xi32>, vector<16xi32>], vector<16xf32>,
      %add3A_298 = arith.constant 160 : i32
      %add3A_299 = vector.broadcast %add3A_298 : i32 to vector<16xi32>
      %add3A_300 = arith.addi %iota3A, %add3A_299 : vector<16xi32>
      %gather3A_301 = tpu.vector_load_idx %arg7[%add3A_300, %broadcast_in_dim3A_283] : memref<512x128xf32, #tpu.memory_space<vmem>>[vector<16xi32>, vector<16xi32>], vector<16xf32>,
      %add3A_302 = arith.constant 32 : i32
      %add3A_303 = vector.broadcast %add3A_302 : i32 to vector<16xi32>
      %add3A_304 = arith.addi %iota3A, %add3A_303 : vector<16xi32>
      tpu.vector_store_idx %arg8[%add3A_304, %broadcast_in_dim3A_280], %gather3A_301 : memref<64x256xf32, #tpu.memory_space<vmem>>[vector<16xi32>, vector<16xi32>], vector<16xf32>,
      %add3A_305 = arith.constant 176 : i32
      %add3A_306 = vector.broadcast %add3A_305 : i32 to vector<16xi32>
      %add3A_307 = arith.addi %iota3A, %add3A_306 : vector<16xi32>
      %gather3A_308 = tpu.vector_load_idx %arg7[%add3A_307, %broadcast_in_dim3A_283] : memref<512x128xf32, #tpu.memory_space<vmem>>[vector<16xi32>, vector<16xi32>], vector<16xf32>,
      %add3A_309 = arith.constant 48 : i32
      %add3A_310 = vector.broadcast %add3A_309 : i32 to vector<16xi32>
      %add3A_311 = arith.addi %iota3A, %add3A_310 : vector<16xi32>
      tpu.vector_store_idx %arg8[%add3A_311, %broadcast_in_dim3A_280], %gather3A_308 : memref<64x256xf32, #tpu.memory_space<vmem>>[vector<16xi32>, vector<16xi32>], vector<16xf32>,
      %slice3A_312 = vector.extract_strided_slice %and3A_39 {offsets = [10], sizes = [1], strides = [1]} : vector<16xi32> to vector<1xi32>
      %squeeze3A_313 = vector.extract %slice3A_312[0] : i32 from vector<1xi32>
      %multiple_of3A_314 = tpu.assume_multiple %squeeze3A_313, 128 : i32
      %dma_start3A_315 = arith.constant 128 : i32
      %dma_start3A_316 = arith.constant 0 : i32
      %dma_start3A_317 = tpu.memref_slice %arg7[%dma_start3A_315, %dma_start3A_316] : memref<512x128xf32, #tpu.memory_space<vmem>> -> memref<64x128xf32, #tpu.memory_space<vmem>>
      %dma_start3A_318 = arith.constant 0 : i32
      %dma_start3A_319 = tpu.memref_slice %arg3[%dma_start3A_318, %multiple_of3A_314] : memref<64x1000000xf32, #tpu.memory_space<hbm>> -> memref<64x128xf32, #tpu.memory_space<hbm>>
      %dma_start3A_320 = arith.constant 128 : i32
      %dma_start3A_321 = arith.constant 0 : i32
      %dma_start3A_322 = tpu.memref_slice %arg7[%dma_start3A_320, %dma_start3A_321] : memref<512x128xf32, #tpu.memory_space<vmem>> -> memref<64x128xf32, #tpu.memory_space<vmem>>
      %dma_start3A_323 = arith.constant 0 : i32
      %dma_start3A_324 = tpu.memref_slice %arg3[%dma_start3A_323, %multiple_of3A_314] : memref<64x1000000xf32, #tpu.memory_space<hbm>> -> memref<64x128xf32, #tpu.memory_space<hbm>>
      tpu.enqueue_dma source(%dma_start3A_324 : memref<64x128xf32, #tpu.memory_space<hbm>>) target(%dma_start3A_322 : memref<64x128xf32, #tpu.memory_space<vmem>>) target_semaphore(%arg12 : memref<!tpu.dma_semaphore, #tpu.memory_space<semaphore_mem>>)
      %dma_wait3A_325 = arith.constant 192 : i32
      %dma_wait3A_326 = arith.constant 0 : i32
      %dma_wait3A_327 = tpu.memref_slice %arg7[%dma_wait3A_325, %dma_wait3A_326] : memref<512x128xf32, #tpu.memory_space<vmem>> -> memref<64x128xf32, #tpu.memory_space<vmem>>
      %dma_wait3A_328 = arith.constant 0 : i32
      %dma_wait3A_329 = arith.constant 0 : i32
      %dma_wait3A_330 = tpu.memref_slice %arg3[%dma_wait3A_328, %dma_wait3A_329] : memref<64x1000000xf32, #tpu.memory_space<hbm>> -> memref<64x128xf32, #tpu.memory_space<hbm>>
      %dma_wait3A_331 = arith.constant 192 : i32
      %dma_wait3A_332 = arith.constant 0 : i32
      %dma_wait3A_333 = tpu.memref_slice %arg7[%dma_wait3A_331, %dma_wait3A_332] : memref<512x128xf32, #tpu.memory_space<vmem>> -> memref<64x128xf32, #tpu.memory_space<vmem>>
      %dma_wait3A_334 = arith.constant 0 : i32
      %dma_wait3A_335 = arith.constant 0 : i32
      %dma_wait3A_336 = tpu.memref_slice %arg3[%dma_wait3A_334, %dma_wait3A_335] : memref<64x1000000xf32, #tpu.memory_space<hbm>> -> memref<64x128xf32, #tpu.memory_space<hbm>>
      tpu.wait_dma2 semaphore(%arg13 : memref<!tpu.dma_semaphore, #tpu.memory_space<semaphore_mem>>) src(%dma_wait3A_336 : memref<64x128xf32, #tpu.memory_space<hbm>>) dst(%dma_wait3A_333 : memref<64x128xf32, #tpu.memory_space<vmem>>)
      %mul3A_337 = arith.constant 16 : i32
      %mul3A_338 = arith.muli %add3A_31, %mul3A_337 : i32
      %add3A_339 = arith.constant 3 : i32
      %add3A_340 = arith.addi %mul3A_338, %add3A_339 : i32
      %broadcast_in_dim3A_341 = vector.broadcast %add3A_340 : i32 to vector<16xi32>
      %slice3A_342 = vector.extract_strided_slice %and3A_42 {offsets = [3], sizes = [1], strides = [1]} : vector<16xi32> to vector<1xi32>
      %squeeze3A_343 = vector.extract %slice3A_342[0] : i32 from vector<1xi32>
      %broadcast_in_dim3A_344 = vector.broadcast %squeeze3A_343 : i32 to vector<16xi32>
      %add3A_345 = arith.constant 192 : i32
      %add3A_346 = vector.broadcast %add3A_345 : i32 to vector<16xi32>
      %add3A_347 = arith.addi %iota3A, %add3A_346 : vector<16xi32>
      %gather3A_348 = tpu.vector_load_idx %arg7[%add3A_347, %broadcast_in_dim3A_344] : memref<512x128xf32, #tpu.memory_space<vmem>>[vector<16xi32>, vector<16xi32>], vector<16xf32>,
      %add3A_349 = arith.constant 0 : i32
      %add3A_350 = vector.broadcast %add3A_349 : i32 to vector<16xi32>
      %add3A_351 = arith.addi %iota3A, %add3A_350 : vector<16xi32>
      tpu.vector_store_idx %arg8[%add3A_351, %broadcast_in_dim3A_341], %gather3A_348 : memref<64x256xf32, #tpu.memory_space<vmem>>[vector<16xi32>, vector<16xi32>], vector<16xf32>,
      %add3A_352 = arith.constant 208 : i32
      %add3A_353 = vector.broadcast %add3A_352 : i32 to vector<16xi32>
      %add3A_354 = arith.addi %iota3A, %add3A_353 : vector<16xi32>
      %gather3A_355 = tpu.vector_load_idx %arg7[%add3A_354, %broadcast_in_dim3A_344] : memref<512x128xf32, #tpu.memory_space<vmem>>[vector<16xi32>, vector<16xi32>], vector<16xf32>,
      %add3A_356 = arith.constant 16 : i32
      %add3A_357 = vector.broadcast %add3A_356 : i32 to vector<16xi32>
      %add3A_358 = arith.addi %iota3A, %add3A_357 : vector<16xi32>
      tpu.vector_store_idx %arg8[%add3A_358, %broadcast_in_dim3A_341], %gather3A_355 : memref<64x256xf32, #tpu.memory_space<vmem>>[vector<16xi32>, vector<16xi32>], vector<16xf32>,
      %add3A_359 = arith.constant 224 : i32
      %add3A_360 = vector.broadcast %add3A_359 : i32 to vector<16xi32>
      %add3A_361 = arith.addi %iota3A, %add3A_360 : vector<16xi32>
      %gather3A_362 = tpu.vector_load_idx %arg7[%add3A_361, %broadcast_in_dim3A_344] : memref<512x128xf32, #tpu.memory_space<vmem>>[vector<16xi32>, vector<16xi32>], vector<16xf32>,
      %add3A_363 = arith.constant 32 : i32
      %add3A_364 = vector.broadcast %add3A_363 : i32 to vector<16xi32>
      %add3A_365 = arith.addi %iota3A, %add3A_364 : vector<16xi32>
      tpu.vector_store_idx %arg8[%add3A_365, %broadcast_in_dim3A_341], %gather3A_362 : memref<64x256xf32, #tpu.memory_space<vmem>>[vector<16xi32>, vector<16xi32>], vector<16xf32>,
      %add3A_366 = arith.constant 240 : i32
      %add3A_367 = vector.broadcast %add3A_366 : i32 to vector<16xi32>
      %add3A_368 = arith.addi %iota3A, %add3A_367 : vector<16xi32>
      %gather3A_369 = tpu.vector_load_idx %arg7[%add3A_368, %broadcast_in_dim3A_344] : memref<512x128xf32, #tpu.memory_space<vmem>>[vector<16xi32>, vector<16xi32>], vector<16xf32>,
      %add3A_370 = arith.constant 48 : i32
      %add3A_371 = vector.broadcast %add3A_370 : i32 to vector<16xi32>
      %add3A_372 = arith.addi %iota3A, %add3A_371 : vector<16xi32>
      tpu.vector_store_idx %arg8[%add3A_372, %broadcast_in_dim3A_341], %gather3A_369 : memref<64x256xf32, #tpu.memory_space<vmem>>[vector<16xi32>, vector<16xi32>], vector<16xf32>,
      %slice3A_373 = vector.extract_strided_slice %and3A_39 {offsets = [11], sizes = [1], strides = [1]} : vector<16xi32> to vector<1xi32>
      %squeeze3A_374 = vector.extract %slice3A_373[0] : i32 from vector<1xi32>
      %multiple_of3A_375 = tpu.assume_multiple %squeeze3A_374, 128 : i32
      %dma_start3A_376 = arith.constant 192 : i32
      %dma_start3A_377 = arith.constant 0 : i32
      %dma_start3A_378 = tpu.memref_slice %arg7[%dma_start3A_376, %dma_start3A_377] : memref<512x128xf32, #tpu.memory_space<vmem>> -> memref<64x128xf32, #tpu.memory_space<vmem>>
      %dma_start3A_379 = arith.constant 0 : i32
      %dma_start3A_380 = tpu.memref_slice %arg3[%dma_start3A_379, %multiple_of3A_375] : memref<64x1000000xf32, #tpu.memory_space<hbm>> -> memref<64x128xf32, #tpu.memory_space<hbm>>
      %dma_start3A_381 = arith.constant 192 : i32
      %dma_start3A_382 = arith.constant 0 : i32
      %dma_start3A_383 = tpu.memref_slice %arg7[%dma_start3A_381, %dma_start3A_382] : memref<512x128xf32, #tpu.memory_space<vmem>> -> memref<64x128xf32, #tpu.memory_space<vmem>>
      %dma_start3A_384 = arith.constant 0 : i32
      %dma_start3A_385 = tpu.memref_slice %arg3[%dma_start3A_384, %multiple_of3A_375] : memref<64x1000000xf32, #tpu.memory_space<hbm>> -> memref<64x128xf32, #tpu.memory_space<hbm>>
      tpu.enqueue_dma source(%dma_start3A_385 : memref<64x128xf32, #tpu.memory_space<hbm>>) target(%dma_start3A_383 : memref<64x128xf32, #tpu.memory_space<vmem>>) target_semaphore(%arg13 : memref<!tpu.dma_semaphore, #tpu.memory_space<semaphore_mem>>)
      %dma_wait3A_386 = arith.constant 256 : i32
      %dma_wait3A_387 = arith.constant 0 : i32
      %dma_wait3A_388 = tpu.memref_slice %arg7[%dma_wait3A_386, %dma_wait3A_387] : memref<512x128xf32, #tpu.memory_space<vmem>> -> memref<64x128xf32, #tpu.memory_space<vmem>>
      %dma_wait3A_389 = arith.constant 0 : i32
      %dma_wait3A_390 = arith.constant 0 : i32
      %dma_wait3A_391 = tpu.memref_slice %arg3[%dma_wait3A_389, %dma_wait3A_390] : memref<64x1000000xf32, #tpu.memory_space<hbm>> -> memref<64x128xf32, #tpu.memory_space<hbm>>
      %dma_wait3A_392 = arith.constant 256 : i32
      %dma_wait3A_393 = arith.constant 0 : i32
      %dma_wait3A_394 = tpu.memref_slice %arg7[%dma_wait3A_392, %dma_wait3A_393] : memref<512x128xf32, #tpu.memory_space<vmem>> -> memref<64x128xf32, #tpu.memory_space<vmem>>
      %dma_wait3A_395 = arith.constant 0 : i32
      %dma_wait3A_396 = arith.constant 0 : i32
      %dma_wait3A_397 = tpu.memref_slice %arg3[%dma_wait3A_395, %dma_wait3A_396] : memref<64x1000000xf32, #tpu.memory_space<hbm>> -> memref<64x128xf32, #tpu.memory_space<hbm>>
      tpu.wait_dma2 semaphore(%arg14 : memref<!tpu.dma_semaphore, #tpu.memory_space<semaphore_mem>>) src(%dma_wait3A_397 : memref<64x128xf32, #tpu.memory_space<hbm>>) dst(%dma_wait3A_394 : memref<64x128xf32, #tpu.memory_space<vmem>>)
      %mul3A_398 = arith.constant 16 : i32
      %mul3A_399 = arith.muli %add3A_31, %mul3A_398 : i32
      %add3A_400 = arith.constant 4 : i32
      %add3A_401 = arith.addi %mul3A_399, %add3A_400 : i32
      %broadcast_in_dim3A_402 = vector.broadcast %add3A_401 : i32 to vector<16xi32>
      %slice3A_403 = vector.extract_strided_slice %and3A_42 {offsets = [4], sizes = [1], strides = [1]} : vector<16xi32> to vector<1xi32>
      %squeeze3A_404 = vector.extract %slice3A_403[0] : i32 from vector<1xi32>
      %broadcast_in_dim3A_405 = vector.broadcast %squeeze3A_404 : i32 to vector<16xi32>
      %add3A_406 = arith.constant 256 : i32
      %add3A_407 = vector.broadcast %add3A_406 : i32 to vector<16xi32>
      %add3A_408 = arith.addi %iota3A, %add3A_407 : vector<16xi32>
      %gather3A_409 = tpu.vector_load_idx %arg7[%add3A_408, %broadcast_in_dim3A_405] : memref<512x128xf32, #tpu.memory_space<vmem>>[vector<16xi32>, vector<16xi32>], vector<16xf32>,
      %add3A_410 = arith.constant 0 : i32
      %add3A_411 = vector.broadcast %add3A_410 : i32 to vector<16xi32>
      %add3A_412 = arith.addi %iota3A, %add3A_411 : vector<16xi32>
      tpu.vector_store_idx %arg8[%add3A_412, %broadcast_in_dim3A_402], %gather3A_409 : memref<64x256xf32, #tpu.memory_space<vmem>>[vector<16xi32>, vector<16xi32>], vector<16xf32>,
      %add3A_413 = arith.constant 272 : i32
      %add3A_414 = vector.broadcast %add3A_413 : i32 to vector<16xi32>
      %add3A_415 = arith.addi %iota3A, %add3A_414 : vector<16xi32>
      %gather3A_416 = tpu.vector_load_idx %arg7[%add3A_415, %broadcast_in_dim3A_405] : memref<512x128xf32, #tpu.memory_space<vmem>>[vector<16xi32>, vector<16xi32>], vector<16xf32>,
      %add3A_417 = arith.constant 16 : i32
      %add3A_418 = vector.broadcast %add3A_417 : i32 to vector<16xi32>
      %add3A_419 = arith.addi %iota3A, %add3A_418 : vector<16xi32>
      tpu.vector_store_idx %arg8[%add3A_419, %broadcast_in_dim3A_402], %gather3A_416 : memref<64x256xf32, #tpu.memory_space<vmem>>[vector<16xi32>, vector<16xi32>], vector<16xf32>,
      %add3A_420 = arith.constant 288 : i32
      %add3A_421 = vector.broadcast %add3A_420 : i32 to vector<16xi32>
      %add3A_422 = arith.addi %iota3A, %add3A_421 : vector<16xi32>
      %gather3A_423 = tpu.vector_load_idx %arg7[%add3A_422, %broadcast_in_dim3A_405] : memref<512x128xf32, #tpu.memory_space<vmem>>[vector<16xi32>, vector<16xi32>], vector<16xf32>,
      %add3A_424 = arith.constant 32 : i32
      %add3A_425 = vector.broadcast %add3A_424 : i32 to vector<16xi32>
      %add3A_426 = arith.addi %iota3A, %add3A_425 : vector<16xi32>
      tpu.vector_store_idx %arg8[%add3A_426, %broadcast_in_dim3A_402], %gather3A_423 : memref<64x256xf32, #tpu.memory_space<vmem>>[vector<16xi32>, vector<16xi32>], vector<16xf32>,
      %add3A_427 = arith.constant 304 : i32
      %add3A_428 = vector.broadcast %add3A_427 : i32 to vector<16xi32>
      %add3A_429 = arith.addi %iota3A, %add3A_428 : vector<16xi32>
      %gather3A_430 = tpu.vector_load_idx %arg7[%add3A_429, %broadcast_in_dim3A_405] : memref<512x128xf32, #tpu.memory_space<vmem>>[vector<16xi32>, vector<16xi32>], vector<16xf32>,
      %add3A_431 = arith.constant 48 : i32
      %add3A_432 = vector.broadcast %add3A_431 : i32 to vector<16xi32>
      %add3A_433 = arith.addi %iota3A, %add3A_432 : vector<16xi32>
      tpu.vector_store_idx %arg8[%add3A_433, %broadcast_in_dim3A_402], %gather3A_430 : memref<64x256xf32, #tpu.memory_space<vmem>>[vector<16xi32>, vector<16xi32>], vector<16xf32>,
      %slice3A_434 = vector.extract_strided_slice %and3A_39 {offsets = [12], sizes = [1], strides = [1]} : vector<16xi32> to vector<1xi32>
      %squeeze3A_435 = vector.extract %slice3A_434[0] : i32 from vector<1xi32>
      %multiple_of3A_436 = tpu.assume_multiple %squeeze3A_435, 128 : i32
      %dma_start3A_437 = arith.constant 256 : i32
      %dma_start3A_438 = arith.constant 0 : i32
      %dma_start3A_439 = tpu.memref_slice %arg7[%dma_start3A_437, %dma_start3A_438] : memref<512x128xf32, #tpu.memory_space<vmem>> -> memref<64x128xf32, #tpu.memory_space<vmem>>
      %dma_start3A_440 = arith.constant 0 : i32
      %dma_start3A_441 = tpu.memref_slice %arg3[%dma_start3A_440, %multiple_of3A_436] : memref<64x1000000xf32, #tpu.memory_space<hbm>> -> memref<64x128xf32, #tpu.memory_space<hbm>>
      %dma_start3A_442 = arith.constant 256 : i32
      %dma_start3A_443 = arith.constant 0 : i32
      %dma_start3A_444 = tpu.memref_slice %arg7[%dma_start3A_442, %dma_start3A_443] : memref<512x128xf32, #tpu.memory_space<vmem>> -> memref<64x128xf32, #tpu.memory_space<vmem>>
      %dma_start3A_445 = arith.constant 0 : i32
      %dma_start3A_446 = tpu.memref_slice %arg3[%dma_start3A_445, %multiple_of3A_436] : memref<64x1000000xf32, #tpu.memory_space<hbm>> -> memref<64x128xf32, #tpu.memory_space<hbm>>
      tpu.enqueue_dma source(%dma_start3A_446 : memref<64x128xf32, #tpu.memory_space<hbm>>) target(%dma_start3A_444 : memref<64x128xf32, #tpu.memory_space<vmem>>) target_semaphore(%arg14 : memref<!tpu.dma_semaphore, #tpu.memory_space<semaphore_mem>>)
      %dma_wait3A_447 = arith.constant 320 : i32
      %dma_wait3A_448 = arith.constant 0 : i32
      %dma_wait3A_449 = tpu.memref_slice %arg7[%dma_wait3A_447, %dma_wait3A_448] : memref<512x128xf32, #tpu.memory_space<vmem>> -> memref<64x128xf32, #tpu.memory_space<vmem>>
      %dma_wait3A_450 = arith.constant 0 : i32
      %dma_wait3A_451 = arith.constant 0 : i32
      %dma_wait3A_452 = tpu.memref_slice %arg3[%dma_wait3A_450, %dma_wait3A_451] : memref<64x1000000xf32, #tpu.memory_space<hbm>> -> memref<64x128xf32, #tpu.memory_space<hbm>>
      %dma_wait3A_453 = arith.constant 320 : i32
      %dma_wait3A_454 = arith.constant 0 : i32
      %dma_wait3A_455 = tpu.memref_slice %arg7[%dma_wait3A_453, %dma_wait3A_454] : memref<512x128xf32, #tpu.memory_space<vmem>> -> memref<64x128xf32, #tpu.memory_space<vmem>>
      %dma_wait3A_456 = arith.constant 0 : i32
      %dma_wait3A_457 = arith.constant 0 : i32
      %dma_wait3A_458 = tpu.memref_slice %arg3[%dma_wait3A_456, %dma_wait3A_457] : memref<64x1000000xf32, #tpu.memory_space<hbm>> -> memref<64x128xf32, #tpu.memory_space<hbm>>
      tpu.wait_dma2 semaphore(%arg15 : memref<!tpu.dma_semaphore, #tpu.memory_space<semaphore_mem>>) src(%dma_wait3A_458 : memref<64x128xf32, #tpu.memory_space<hbm>>) dst(%dma_wait3A_455 : memref<64x128xf32, #tpu.memory_space<vmem>>)
      %mul3A_459 = arith.constant 16 : i32
      %mul3A_460 = arith.muli %add3A_31, %mul3A_459 : i32
      %add3A_461 = arith.constant 5 : i32
      %add3A_462 = arith.addi %mul3A_460, %add3A_461 : i32
      %broadcast_in_dim3A_463 = vector.broadcast %add3A_462 : i32 to vector<16xi32>
      %slice3A_464 = vector.extract_strided_slice %and3A_42 {offsets = [5], sizes = [1], strides = [1]} : vector<16xi32> to vector<1xi32>
      %squeeze3A_465 = vector.extract %slice3A_464[0] : i32 from vector<1xi32>
      %broadcast_in_dim3A_466 = vector.broadcast %squeeze3A_465 : i32 to vector<16xi32>
      %add3A_467 = arith.constant 320 : i32
      %add3A_468 = vector.broadcast %add3A_467 : i32 to vector<16xi32>
      %add3A_469 = arith.addi %iota3A, %add3A_468 : vector<16xi32>
      %gather3A_470 = tpu.vector_load_idx %arg7[%add3A_469, %broadcast_in_dim3A_466] : memref<512x128xf32, #tpu.memory_space<vmem>>[vector<16xi32>, vector<16xi32>], vector<16xf32>,
      %add3A_471 = arith.constant 0 : i32
      %add3A_472 = vector.broadcast %add3A_471 : i32 to vector<16xi32>
      %add3A_473 = arith.addi %iota3A, %add3A_472 : vector<16xi32>
      tpu.vector_store_idx %arg8[%add3A_473, %broadcast_in_dim3A_463], %gather3A_470 : memref<64x256xf32, #tpu.memory_space<vmem>>[vector<16xi32>, vector<16xi32>], vector<16xf32>,
      %add3A_474 = arith.constant 336 : i32
      %add3A_475 = vector.broadcast %add3A_474 : i32 to vector<16xi32>
      %add3A_476 = arith.addi %iota3A, %add3A_475 : vector<16xi32>
      %gather3A_477 = tpu.vector_load_idx %arg7[%add3A_476, %broadcast_in_dim3A_466] : memref<512x128xf32, #tpu.memory_space<vmem>>[vector<16xi32>, vector<16xi32>], vector<16xf32>,
      %add3A_478 = arith.constant 16 : i32
      %add3A_479 = vector.broadcast %add3A_478 : i32 to vector<16xi32>
      %add3A_480 = arith.addi %iota3A, %add3A_479 : vector<16xi32>
      tpu.vector_store_idx %arg8[%add3A_480, %broadcast_in_dim3A_463], %gather3A_477 : memref<64x256xf32, #tpu.memory_space<vmem>>[vector<16xi32>, vector<16xi32>], vector<16xf32>,
      %add3A_481 = arith.constant 352 : i32
      %add3A_482 = vector.broadcast %add3A_481 : i32 to vector<16xi32>
      %add3A_483 = arith.addi %iota3A, %add3A_482 : vector<16xi32>
      %gather3A_484 = tpu.vector_load_idx %arg7[%add3A_483, %broadcast_in_dim3A_466] : memref<512x128xf32, #tpu.memory_space<vmem>>[vector<16xi32>, vector<16xi32>], vector<16xf32>,
      %add3A_485 = arith.constant 32 : i32
      %add3A_486 = vector.broadcast %add3A_485 : i32 to vector<16xi32>
      %add3A_487 = arith.addi %iota3A, %add3A_486 : vector<16xi32>
      tpu.vector_store_idx %arg8[%add3A_487, %broadcast_in_dim3A_463], %gather3A_484 : memref<64x256xf32, #tpu.memory_space<vmem>>[vector<16xi32>, vector<16xi32>], vector<16xf32>,
      %add3A_488 = arith.constant 368 : i32
      %add3A_489 = vector.broadcast %add3A_488 : i32 to vector<16xi32>
      %add3A_490 = arith.addi %iota3A, %add3A_489 : vector<16xi32>
      %gather3A_491 = tpu.vector_load_idx %arg7[%add3A_490, %broadcast_in_dim3A_466] : memref<512x128xf32, #tpu.memory_space<vmem>>[vector<16xi32>, vector<16xi32>], vector<16xf32>,
      %add3A_492 = arith.constant 48 : i32
      %add3A_493 = vector.broadcast %add3A_492 : i32 to vector<16xi32>
      %add3A_494 = arith.addi %iota3A, %add3A_493 : vector<16xi32>
      tpu.vector_store_idx %arg8[%add3A_494, %broadcast_in_dim3A_463], %gather3A_491 : memref<64x256xf32, #tpu.memory_space<vmem>>[vector<16xi32>, vector<16xi32>], vector<16xf32>,
      %slice3A_495 = vector.extract_strided_slice %and3A_39 {offsets = [13], sizes = [1], strides = [1]} : vector<16xi32> to vector<1xi32>
      %squeeze3A_496 = vector.extract %slice3A_495[0] : i32 from vector<1xi32>
      %multiple_of3A_497 = tpu.assume_multiple %squeeze3A_496, 128 : i32
      %dma_start3A_498 = arith.constant 320 : i32
      %dma_start3A_499 = arith.constant 0 : i32
      %dma_start3A_500 = tpu.memref_slice %arg7[%dma_start3A_498, %dma_start3A_499] : memref<512x128xf32, #tpu.memory_space<vmem>> -> memref<64x128xf32, #tpu.memory_space<vmem>>
      %dma_start3A_501 = arith.constant 0 : i32
      %dma_start3A_502 = tpu.memref_slice %arg3[%dma_start3A_501, %multiple_of3A_497] : memref<64x1000000xf32, #tpu.memory_space<hbm>> -> memref<64x128xf32, #tpu.memory_space<hbm>>
      %dma_start3A_503 = arith.constant 320 : i32
      %dma_start3A_504 = arith.constant 0 : i32
      %dma_start3A_505 = tpu.memref_slice %arg7[%dma_start3A_503, %dma_start3A_504] : memref<512x128xf32, #tpu.memory_space<vmem>> -> memref<64x128xf32, #tpu.memory_space<vmem>>
      %dma_start3A_506 = arith.constant 0 : i32
      %dma_start3A_507 = tpu.memref_slice %arg3[%dma_start3A_506, %multiple_of3A_497] : memref<64x1000000xf32, #tpu.memory_space<hbm>> -> memref<64x128xf32, #tpu.memory_space<hbm>>
      tpu.enqueue_dma source(%dma_start3A_507 : memref<64x128xf32, #tpu.memory_space<hbm>>) target(%dma_start3A_505 : memref<64x128xf32, #tpu.memory_space<vmem>>) target_semaphore(%arg15 : memref<!tpu.dma_semaphore, #tpu.memory_space<semaphore_mem>>)
      %dma_wait3A_508 = arith.constant 384 : i32
      %dma_wait3A_509 = arith.constant 0 : i32
      %dma_wait3A_510 = tpu.memref_slice %arg7[%dma_wait3A_508, %dma_wait3A_509] : memref<512x128xf32, #tpu.memory_space<vmem>> -> memref<64x128xf32, #tpu.memory_space<vmem>>
      %dma_wait3A_511 = arith.constant 0 : i32
      %dma_wait3A_512 = arith.constant 0 : i32
      %dma_wait3A_513 = tpu.memref_slice %arg3[%dma_wait3A_511, %dma_wait3A_512] : memref<64x1000000xf32, #tpu.memory_space<hbm>> -> memref<64x128xf32, #tpu.memory_space<hbm>>
      %dma_wait3A_514 = arith.constant 384 : i32
      %dma_wait3A_515 = arith.constant 0 : i32
      %dma_wait3A_516 = tpu.memref_slice %arg7[%dma_wait3A_514, %dma_wait3A_515] : memref<512x128xf32, #tpu.memory_space<vmem>> -> memref<64x128xf32, #tpu.memory_space<vmem>>
      %dma_wait3A_517 = arith.constant 0 : i32
      %dma_wait3A_518 = arith.constant 0 : i32
      %dma_wait3A_519 = tpu.memref_slice %arg3[%dma_wait3A_517, %dma_wait3A_518] : memref<64x1000000xf32, #tpu.memory_space<hbm>> -> memref<64x128xf32, #tpu.memory_space<hbm>>
      tpu.wait_dma2 semaphore(%arg16 : memref<!tpu.dma_semaphore, #tpu.memory_space<semaphore_mem>>) src(%dma_wait3A_519 : memref<64x128xf32, #tpu.memory_space<hbm>>) dst(%dma_wait3A_516 : memref<64x128xf32, #tpu.memory_space<vmem>>)
      %mul3A_520 = arith.constant 16 : i32
      %mul3A_521 = arith.muli %add3A_31, %mul3A_520 : i32
      %add3A_522 = arith.constant 6 : i32
      %add3A_523 = arith.addi %mul3A_521, %add3A_522 : i32
      %broadcast_in_dim3A_524 = vector.broadcast %add3A_523 : i32 to vector<16xi32>
      %slice3A_525 = vector.extract_strided_slice %and3A_42 {offsets = [6], sizes = [1], strides = [1]} : vector<16xi32> to vector<1xi32>
      %squeeze3A_526 = vector.extract %slice3A_525[0] : i32 from vector<1xi32>
      %broadcast_in_dim3A_527 = vector.broadcast %squeeze3A_526 : i32 to vector<16xi32>
      %add3A_528 = arith.constant 384 : i32
      %add3A_529 = vector.broadcast %add3A_528 : i32 to vector<16xi32>
      %add3A_530 = arith.addi %iota3A, %add3A_529 : vector<16xi32>
      %gather3A_531 = tpu.vector_load_idx %arg7[%add3A_530, %broadcast_in_dim3A_527] : memref<512x128xf32, #tpu.memory_space<vmem>>[vector<16xi32>, vector<16xi32>], vector<16xf32>,
      %add3A_532 = arith.constant 0 : i32
      %add3A_533 = vector.broadcast %add3A_532 : i32 to vector<16xi32>
      %add3A_534 = arith.addi %iota3A, %add3A_533 : vector<16xi32>
      tpu.vector_store_idx %arg8[%add3A_534, %broadcast_in_dim3A_524], %gather3A_531 : memref<64x256xf32, #tpu.memory_space<vmem>>[vector<16xi32>, vector<16xi32>], vector<16xf32>,
      %add3A_535 = arith.constant 400 : i32
      %add3A_536 = vector.broadcast %add3A_535 : i32 to vector<16xi32>
      %add3A_537 = arith.addi %iota3A, %add3A_536 : vector<16xi32>
      %gather3A_538 = tpu.vector_load_idx %arg7[%add3A_537, %broadcast_in_dim3A_527] : memref<512x128xf32, #tpu.memory_space<vmem>>[vector<16xi32>, vector<16xi32>], vector<16xf32>,
      %add3A_539 = arith.constant 16 : i32
      %add3A_540 = vector.broadcast %add3A_539 : i32 to vector<16xi32>
      %add3A_541 = arith.addi %iota3A, %add3A_540 : vector<16xi32>
      tpu.vector_store_idx %arg8[%add3A_541, %broadcast_in_dim3A_524], %gather3A_538 : memref<64x256xf32, #tpu.memory_space<vmem>>[vector<16xi32>, vector<16xi32>], vector<16xf32>,
      %add3A_542 = arith.constant 416 : i32
      %add3A_543 = vector.broadcast %add3A_542 : i32 to vector<16xi32>
      %add3A_544 = arith.addi %iota3A, %add3A_543 : vector<16xi32>
      %gather3A_545 = tpu.vector_load_idx %arg7[%add3A_544, %broadcast_in_dim3A_527] : memref<512x128xf32, #tpu.memory_space<vmem>>[vector<16xi32>, vector<16xi32>], vector<16xf32>,
      %add3A_546 = arith.constant 32 : i32
      %add3A_547 = vector.broadcast %add3A_546 : i32 to vector<16xi32>
      %add3A_548 = arith.addi %iota3A, %add3A_547 : vector<16xi32>
      tpu.vector_store_idx %arg8[%add3A_548, %broadcast_in_dim3A_524], %gather3A_545 : memref<64x256xf32, #tpu.memory_space<vmem>>[vector<16xi32>, vector<16xi32>], vector<16xf32>,
      %add3A_549 = arith.constant 432 : i32
      %add3A_550 = vector.broadcast %add3A_549 : i32 to vector<16xi32>
      %add3A_551 = arith.addi %iota3A, %add3A_550 : vector<16xi32>
      %gather3A_552 = tpu.vector_load_idx %arg7[%add3A_551, %broadcast_in_dim3A_527] : memref<512x128xf32, #tpu.memory_space<vmem>>[vector<16xi32>, vector<16xi32>], vector<16xf32>,
      %add3A_553 = arith.constant 48 : i32
      %add3A_554 = vector.broadcast %add3A_553 : i32 to vector<16xi32>
      %add3A_555 = arith.addi %iota3A, %add3A_554 : vector<16xi32>
      tpu.vector_store_idx %arg8[%add3A_555, %broadcast_in_dim3A_524], %gather3A_552 : memref<64x256xf32, #tpu.memory_space<vmem>>[vector<16xi32>, vector<16xi32>], vector<16xf32>,
      %slice3A_556 = vector.extract_strided_slice %and3A_39 {offsets = [14], sizes = [1], strides = [1]} : vector<16xi32> to vector<1xi32>
      %squeeze3A_557 = vector.extract %slice3A_556[0] : i32 from vector<1xi32>
      %multiple_of3A_558 = tpu.assume_multiple %squeeze3A_557, 128 : i32
      %dma_start3A_559 = arith.constant 384 : i32
      %dma_start3A_560 = arith.constant 0 : i32
      %dma_start3A_561 = tpu.memref_slice %arg7[%dma_start3A_559, %dma_start3A_560] : memref<512x128xf32, #tpu.memory_space<vmem>> -> memref<64x128xf32, #tpu.memory_space<vmem>>
      %dma_start3A_562 = arith.constant 0 : i32
      %dma_start3A_563 = tpu.memref_slice %arg3[%dma_start3A_562, %multiple_of3A_558] : memref<64x1000000xf32, #tpu.memory_space<hbm>> -> memref<64x128xf32, #tpu.memory_space<hbm>>
      %dma_start3A_564 = arith.constant 384 : i32
      %dma_start3A_565 = arith.constant 0 : i32
      %dma_start3A_566 = tpu.memref_slice %arg7[%dma_start3A_564, %dma_start3A_565] : memref<512x128xf32, #tpu.memory_space<vmem>> -> memref<64x128xf32, #tpu.memory_space<vmem>>
      %dma_start3A_567 = arith.constant 0 : i32
      %dma_start3A_568 = tpu.memref_slice %arg3[%dma_start3A_567, %multiple_of3A_558] : memref<64x1000000xf32, #tpu.memory_space<hbm>> -> memref<64x128xf32, #tpu.memory_space<hbm>>
      tpu.enqueue_dma source(%dma_start3A_568 : memref<64x128xf32, #tpu.memory_space<hbm>>) target(%dma_start3A_566 : memref<64x128xf32, #tpu.memory_space<vmem>>) target_semaphore(%arg16 : memref<!tpu.dma_semaphore, #tpu.memory_space<semaphore_mem>>)
      %dma_wait3A_569 = arith.constant 448 : i32
      %dma_wait3A_570 = arith.constant 0 : i32
      %dma_wait3A_571 = tpu.memref_slice %arg7[%dma_wait3A_569, %dma_wait3A_570] : memref<512x128xf32, #tpu.memory_space<vmem>> -> memref<64x128xf32, #tpu.memory_space<vmem>>
      %dma_wait3A_572 = arith.constant 0 : i32
      %dma_wait3A_573 = arith.constant 0 : i32
      %dma_wait3A_574 = tpu.memref_slice %arg3[%dma_wait3A_572, %dma_wait3A_573] : memref<64x1000000xf32, #tpu.memory_space<hbm>> -> memref<64x128xf32, #tpu.memory_space<hbm>>
      %dma_wait3A_575 = arith.constant 448 : i32
      %dma_wait3A_576 = arith.constant 0 : i32
      %dma_wait3A_577 = tpu.memref_slice %arg7[%dma_wait3A_575, %dma_wait3A_576] : memref<512x128xf32, #tpu.memory_space<vmem>> -> memref<64x128xf32, #tpu.memory_space<vmem>>
      %dma_wait3A_578 = arith.constant 0 : i32
      %dma_wait3A_579 = arith.constant 0 : i32
      %dma_wait3A_580 = tpu.memref_slice %arg3[%dma_wait3A_578, %dma_wait3A_579] : memref<64x1000000xf32, #tpu.memory_space<hbm>> -> memref<64x128xf32, #tpu.memory_space<hbm>>
      tpu.wait_dma2 semaphore(%arg17 : memref<!tpu.dma_semaphore, #tpu.memory_space<semaphore_mem>>) src(%dma_wait3A_580 : memref<64x128xf32, #tpu.memory_space<hbm>>) dst(%dma_wait3A_577 : memref<64x128xf32, #tpu.memory_space<vmem>>)
      %mul3A_581 = arith.constant 16 : i32
      %mul3A_582 = arith.muli %add3A_31, %mul3A_581 : i32
      %add3A_583 = arith.constant 7 : i32
      %add3A_584 = arith.addi %mul3A_582, %add3A_583 : i32
      %broadcast_in_dim3A_585 = vector.broadcast %add3A_584 : i32 to vector<16xi32>
      %slice3A_586 = vector.extract_strided_slice %and3A_42 {offsets = [7], sizes = [1], strides = [1]} : vector<16xi32> to vector<1xi32>
      %squeeze3A_587 = vector.extract %slice3A_586[0] : i32 from vector<1xi32>
      %broadcast_in_dim3A_588 = vector.broadcast %squeeze3A_587 : i32 to vector<16xi32>
      %add3A_589 = arith.constant 448 : i32
      %add3A_590 = vector.broadcast %add3A_589 : i32 to vector<16xi32>
      %add3A_591 = arith.addi %iota3A, %add3A_590 : vector<16xi32>
      %gather3A_592 = tpu.vector_load_idx %arg7[%add3A_591, %broadcast_in_dim3A_588] : memref<512x128xf32, #tpu.memory_space<vmem>>[vector<16xi32>, vector<16xi32>], vector<16xf32>,
      %add3A_593 = arith.constant 0 : i32
      %add3A_594 = vector.broadcast %add3A_593 : i32 to vector<16xi32>
      %add3A_595 = arith.addi %iota3A, %add3A_594 : vector<16xi32>
      tpu.vector_store_idx %arg8[%add3A_595, %broadcast_in_dim3A_585], %gather3A_592 : memref<64x256xf32, #tpu.memory_space<vmem>>[vector<16xi32>, vector<16xi32>], vector<16xf32>,
      %add3A_596 = arith.constant 464 : i32
      %add3A_597 = vector.broadcast %add3A_596 : i32 to vector<16xi32>
      %add3A_598 = arith.addi %iota3A, %add3A_597 : vector<16xi32>
      %gather3A_599 = tpu.vector_load_idx %arg7[%add3A_598, %broadcast_in_dim3A_588] : memref<512x128xf32, #tpu.memory_space<vmem>>[vector<16xi32>, vector<16xi32>], vector<16xf32>,
      %add3A_600 = arith.constant 16 : i32
      %add3A_601 = vector.broadcast %add3A_600 : i32 to vector<16xi32>
      %add3A_602 = arith.addi %iota3A, %add3A_601 : vector<16xi32>
      tpu.vector_store_idx %arg8[%add3A_602, %broadcast_in_dim3A_585], %gather3A_599 : memref<64x256xf32, #tpu.memory_space<vmem>>[vector<16xi32>, vector<16xi32>], vector<16xf32>,
      %add3A_603 = arith.constant 480 : i32
      %add3A_604 = vector.broadcast %add3A_603 : i32 to vector<16xi32>
      %add3A_605 = arith.addi %iota3A, %add3A_604 : vector<16xi32>
      %gather3A_606 = tpu.vector_load_idx %arg7[%add3A_605, %broadcast_in_dim3A_588] : memref<512x128xf32, #tpu.memory_space<vmem>>[vector<16xi32>, vector<16xi32>], vector<16xf32>,
      %add3A_607 = arith.constant 32 : i32
      %add3A_608 = vector.broadcast %add3A_607 : i32 to vector<16xi32>
      %add3A_609 = arith.addi %iota3A, %add3A_608 : vector<16xi32>
      tpu.vector_store_idx %arg8[%add3A_609, %broadcast_in_dim3A_585], %gather3A_606 : memref<64x256xf32, #tpu.memory_space<vmem>>[vector<16xi32>, vector<16xi32>], vector<16xf32>,
      %add3A_610 = arith.constant 496 : i32
      %add3A_611 = vector.broadcast %add3A_610 : i32 to vector<16xi32>
      %add3A_612 = arith.addi %iota3A, %add3A_611 : vector<16xi32>
      %gather3A_613 = tpu.vector_load_idx %arg7[%add3A_612, %broadcast_in_dim3A_588] : memref<512x128xf32, #tpu.memory_space<vmem>>[vector<16xi32>, vector<16xi32>], vector<16xf32>,
      %add3A_614 = arith.constant 48 : i32
      %add3A_615 = vector.broadcast %add3A_614 : i32 to vector<16xi32>
      %add3A_616 = arith.addi %iota3A, %add3A_615 : vector<16xi32>
      tpu.vector_store_idx %arg8[%add3A_616, %broadcast_in_dim3A_585], %gather3A_613 : memref<64x256xf32, #tpu.memory_space<vmem>>[vector<16xi32>, vector<16xi32>], vector<16xf32>,
      %slice3A_617 = vector.extract_strided_slice %and3A_39 {offsets = [15], sizes = [1], strides = [1]} : vector<16xi32> to vector<1xi32>
      %squeeze3A_618 = vector.extract %slice3A_617[0] : i32 from vector<1xi32>
      %multiple_of3A_619 = tpu.assume_multiple %squeeze3A_618, 128 : i32
      %dma_start3A_620 = arith.constant 448 : i32
      %dma_start3A_621 = arith.constant 0 : i32
      %dma_start3A_622 = tpu.memref_slice %arg7[%dma_start3A_620, %dma_start3A_621] : memref<512x128xf32, #tpu.memory_space<vmem>> -> memref<64x128xf32, #tpu.memory_space<vmem>>
      %dma_start3A_623 = arith.constant 0 : i32
      %dma_start3A_624 = tpu.memref_slice %arg3[%dma_start3A_623, %multiple_of3A_619] : memref<64x1000000xf32, #tpu.memory_space<hbm>> -> memref<64x128xf32, #tpu.memory_space<hbm>>
      %dma_start3A_625 = arith.constant 448 : i32
      %dma_start3A_626 = arith.constant 0 : i32
      %dma_start3A_627 = tpu.memref_slice %arg7[%dma_start3A_625, %dma_start3A_626] : memref<512x128xf32, #tpu.memory_space<vmem>> -> memref<64x128xf32, #tpu.memory_space<vmem>>
      %dma_start3A_628 = arith.constant 0 : i32
      %dma_start3A_629 = tpu.memref_slice %arg3[%dma_start3A_628, %multiple_of3A_619] : memref<64x1000000xf32, #tpu.memory_space<hbm>> -> memref<64x128xf32, #tpu.memory_space<hbm>>
      tpu.enqueue_dma source(%dma_start3A_629 : memref<64x128xf32, #tpu.memory_space<hbm>>) target(%dma_start3A_627 : memref<64x128xf32, #tpu.memory_space<vmem>>) target_semaphore(%arg17 : memref<!tpu.dma_semaphore, #tpu.memory_space<semaphore_mem>>)
      %dma_wait3A_630 = arith.constant 0 : i32
      %dma_wait3A_631 = arith.constant 0 : i32
      %dma_wait3A_632 = tpu.memref_slice %arg7[%dma_wait3A_630, %dma_wait3A_631] : memref<512x128xf32, #tpu.memory_space<vmem>> -> memref<64x128xf32, #tpu.memory_space<vmem>>
      %dma_wait3A_633 = arith.constant 0 : i32
      %dma_wait3A_634 = arith.constant 0 : i32
      %dma_wait3A_635 = tpu.memref_slice %arg3[%dma_wait3A_633, %dma_wait3A_634] : memref<64x1000000xf32, #tpu.memory_space<hbm>> -> memref<64x128xf32, #tpu.memory_space<hbm>>
      %dma_wait3A_636 = arith.constant 0 : i32
      %dma_wait3A_637 = arith.constant 0 : i32
      %dma_wait3A_638 = tpu.memref_slice %arg7[%dma_wait3A_636, %dma_wait3A_637] : memref<512x128xf32, #tpu.memory_space<vmem>> -> memref<64x128xf32, #tpu.memory_space<vmem>>
      %dma_wait3A_639 = arith.constant 0 : i32
      %dma_wait3A_640 = arith.constant 0 : i32
      %dma_wait3A_641 = tpu.memref_slice %arg3[%dma_wait3A_639, %dma_wait3A_640] : memref<64x1000000xf32, #tpu.memory_space<hbm>> -> memref<64x128xf32, #tpu.memory_space<hbm>>
      tpu.wait_dma2 semaphore(%arg10 : memref<!tpu.dma_semaphore, #tpu.memory_space<semaphore_mem>>) src(%dma_wait3A_641 : memref<64x128xf32, #tpu.memory_space<hbm>>) dst(%dma_wait3A_638 : memref<64x128xf32, #tpu.memory_space<vmem>>)
      %mul3A_642 = arith.constant 16 : i32
      %mul3A_643 = arith.muli %add3A_31, %mul3A_642 : i32
      %add3A_644 = arith.constant 8 : i32
      %add3A_645 = arith.addi %mul3A_643, %add3A_644 : i32
      %broadcast_in_dim3A_646 = vector.broadcast %add3A_645 : i32 to vector<16xi32>
      %slice3A_647 = vector.extract_strided_slice %and3A_42 {offsets = [8], sizes = [1], strides = [1]} : vector<16xi32> to vector<1xi32>
      %squeeze3A_648 = vector.extract %slice3A_647[0] : i32 from vector<1xi32>
      %broadcast_in_dim3A_649 = vector.broadcast %squeeze3A_648 : i32 to vector<16xi32>
      %add3A_650 = arith.constant 0 : i32
      %add3A_651 = vector.broadcast %add3A_650 : i32 to vector<16xi32>
      %add3A_652 = arith.addi %iota3A, %add3A_651 : vector<16xi32>
      %gather3A_653 = tpu.vector_load_idx %arg7[%add3A_652, %broadcast_in_dim3A_649] : memref<512x128xf32, #tpu.memory_space<vmem>>[vector<16xi32>, vector<16xi32>], vector<16xf32>,
      %add3A_654 = arith.constant 0 : i32
      %add3A_655 = vector.broadcast %add3A_654 : i32 to vector<16xi32>
      %add3A_656 = arith.addi %iota3A, %add3A_655 : vector<16xi32>
      tpu.vector_store_idx %arg8[%add3A_656, %broadcast_in_dim3A_646], %gather3A_653 : memref<64x256xf32, #tpu.memory_space<vmem>>[vector<16xi32>, vector<16xi32>], vector<16xf32>,
      %add3A_657 = arith.constant 16 : i32
      %add3A_658 = vector.broadcast %add3A_657 : i32 to vector<16xi32>
      %add3A_659 = arith.addi %iota3A, %add3A_658 : vector<16xi32>
      %gather3A_660 = tpu.vector_load_idx %arg7[%add3A_659, %broadcast_in_dim3A_649] : memref<512x128xf32, #tpu.memory_space<vmem>>[vector<16xi32>, vector<16xi32>], vector<16xf32>,
      %add3A_661 = arith.constant 16 : i32
      %add3A_662 = vector.broadcast %add3A_661 : i32 to vector<16xi32>
      %add3A_663 = arith.addi %iota3A, %add3A_662 : vector<16xi32>
      tpu.vector_store_idx %arg8[%add3A_663, %broadcast_in_dim3A_646], %gather3A_660 : memref<64x256xf32, #tpu.memory_space<vmem>>[vector<16xi32>, vector<16xi32>], vector<16xf32>,
      %add3A_664 = arith.constant 32 : i32
      %add3A_665 = vector.broadcast %add3A_664 : i32 to vector<16xi32>
      %add3A_666 = arith.addi %iota3A, %add3A_665 : vector<16xi32>
      %gather3A_667 = tpu.vector_load_idx %arg7[%add3A_666, %broadcast_in_dim3A_649] : memref<512x128xf32, #tpu.memory_space<vmem>>[vector<16xi32>, vector<16xi32>], vector<16xf32>,
      %add3A_668 = arith.constant 32 : i32
      %add3A_669 = vector.broadcast %add3A_668 : i32 to vector<16xi32>
      %add3A_670 = arith.addi %iota3A, %add3A_669 : vector<16xi32>
      tpu.vector_store_idx %arg8[%add3A_670, %broadcast_in_dim3A_646], %gather3A_667 : memref<64x256xf32, #tpu.memory_space<vmem>>[vector<16xi32>, vector<16xi32>], vector<16xf32>,
      %add3A_671 = arith.constant 48 : i32
      %add3A_672 = vector.broadcast %add3A_671 : i32 to vector<16xi32>
      %add3A_673 = arith.addi %iota3A, %add3A_672 : vector<16xi32>
      %gather3A_674 = tpu.vector_load_idx %arg7[%add3A_673, %broadcast_in_dim3A_649] : memref<512x128xf32, #tpu.memory_space<vmem>>[vector<16xi32>, vector<16xi32>], vector<16xf32>,
      %add3A_675 = arith.constant 48 : i32
      %add3A_676 = vector.broadcast %add3A_675 : i32 to vector<16xi32>
      %add3A_677 = arith.addi %iota3A, %add3A_676 : vector<16xi32>
      tpu.vector_store_idx %arg8[%add3A_677, %broadcast_in_dim3A_646], %gather3A_674 : memref<64x256xf32, #tpu.memory_space<vmem>>[vector<16xi32>, vector<16xi32>], vector<16xf32>,
      %dma_wait3A_678 = arith.constant 64 : i32
      %dma_wait3A_679 = arith.constant 0 : i32
      %dma_wait3A_680 = tpu.memref_slice %arg7[%dma_wait3A_678, %dma_wait3A_679] : memref<512x128xf32, #tpu.memory_space<vmem>> -> memref<64x128xf32, #tpu.memory_space<vmem>>
      %dma_wait3A_681 = arith.constant 0 : i32
      %dma_wait3A_682 = arith.constant 0 : i32
      %dma_wait3A_683 = tpu.memref_slice %arg3[%dma_wait3A_681, %dma_wait3A_682] : memref<64x1000000xf32, #tpu.memory_space<hbm>> -> memref<64x128xf32, #tpu.memory_space<hbm>>
      %dma_wait3A_684 = arith.constant 64 : i32
      %dma_wait3A_685 = arith.constant 0 : i32
      %dma_wait3A_686 = tpu.memref_slice %arg7[%dma_wait3A_684, %dma_wait3A_685] : memref<512x128xf32, #tpu.memory_space<vmem>> -> memref<64x128xf32, #tpu.memory_space<vmem>>
      %dma_wait3A_687 = arith.constant 0 : i32
      %dma_wait3A_688 = arith.constant 0 : i32
      %dma_wait3A_689 = tpu.memref_slice %arg3[%dma_wait3A_687, %dma_wait3A_688] : memref<64x1000000xf32, #tpu.memory_space<hbm>> -> memref<64x128xf32, #tpu.memory_space<hbm>>
      tpu.wait_dma2 semaphore(%arg11 : memref<!tpu.dma_semaphore, #tpu.memory_space<semaphore_mem>>) src(%dma_wait3A_689 : memref<64x128xf32, #tpu.memory_space<hbm>>) dst(%dma_wait3A_686 : memref<64x128xf32, #tpu.memory_space<vmem>>)
      %mul3A_690 = arith.constant 16 : i32
      %mul3A_691 = arith.muli %add3A_31, %mul3A_690 : i32
      %add3A_692 = arith.constant 9 : i32
      %add3A_693 = arith.addi %mul3A_691, %add3A_692 : i32
      %broadcast_in_dim3A_694 = vector.broadcast %add3A_693 : i32 to vector<16xi32>
      %slice3A_695 = vector.extract_strided_slice %and3A_42 {offsets = [9], sizes = [1], strides = [1]} : vector<16xi32> to vector<1xi32>
      %squeeze3A_696 = vector.extract %slice3A_695[0] : i32 from vector<1xi32>
      %broadcast_in_dim3A_697 = vector.broadcast %squeeze3A_696 : i32 to vector<16xi32>
      %add3A_698 = arith.constant 64 : i32
      %add3A_699 = vector.broadcast %add3A_698 : i32 to vector<16xi32>
      %add3A_700 = arith.addi %iota3A, %add3A_699 : vector<16xi32>
      %gather3A_701 = tpu.vector_load_idx %arg7[%add3A_700, %broadcast_in_dim3A_697] : memref<512x128xf32, #tpu.memory_space<vmem>>[vector<16xi32>, vector<16xi32>], vector<16xf32>,
      %add3A_702 = arith.constant 0 : i32
      %add3A_703 = vector.broadcast %add3A_702 : i32 to vector<16xi32>
      %add3A_704 = arith.addi %iota3A, %add3A_703 : vector<16xi32>
      tpu.vector_store_idx %arg8[%add3A_704, %broadcast_in_dim3A_694], %gather3A_701 : memref<64x256xf32, #tpu.memory_space<vmem>>[vector<16xi32>, vector<16xi32>], vector<16xf32>,
      %add3A_705 = arith.constant 80 : i32
      %add3A_706 = vector.broadcast %add3A_705 : i32 to vector<16xi32>
      %add3A_707 = arith.addi %iota3A, %add3A_706 : vector<16xi32>
      %gather3A_708 = tpu.vector_load_idx %arg7[%add3A_707, %broadcast_in_dim3A_697] : memref<512x128xf32, #tpu.memory_space<vmem>>[vector<16xi32>, vector<16xi32>], vector<16xf32>,
      %add3A_709 = arith.constant 16 : i32
      %add3A_710 = vector.broadcast %add3A_709 : i32 to vector<16xi32>
      %add3A_711 = arith.addi %iota3A, %add3A_710 : vector<16xi32>
      tpu.vector_store_idx %arg8[%add3A_711, %broadcast_in_dim3A_694], %gather3A_708 : memref<64x256xf32, #tpu.memory_space<vmem>>[vector<16xi32>, vector<16xi32>], vector<16xf32>,
      %add3A_712 = arith.constant 96 : i32
      %add3A_713 = vector.broadcast %add3A_712 : i32 to vector<16xi32>
      %add3A_714 = arith.addi %iota3A, %add3A_713 : vector<16xi32>
      %gather3A_715 = tpu.vector_load_idx %arg7[%add3A_714, %broadcast_in_dim3A_697] : memref<512x128xf32, #tpu.memory_space<vmem>>[vector<16xi32>, vector<16xi32>], vector<16xf32>,
      %add3A_716 = arith.constant 32 : i32
      %add3A_717 = vector.broadcast %add3A_716 : i32 to vector<16xi32>
      %add3A_718 = arith.addi %iota3A, %add3A_717 : vector<16xi32>
      tpu.vector_store_idx %arg8[%add3A_718, %broadcast_in_dim3A_694], %gather3A_715 : memref<64x256xf32, #tpu.memory_space<vmem>>[vector<16xi32>, vector<16xi32>], vector<16xf32>,
      %add3A_719 = arith.constant 112 : i32
      %add3A_720 = vector.broadcast %add3A_719 : i32 to vector<16xi32>
      %add3A_721 = arith.addi %iota3A, %add3A_720 : vector<16xi32>
      %gather3A_722 = tpu.vector_load_idx %arg7[%add3A_721, %broadcast_in_dim3A_697] : memref<512x128xf32, #tpu.memory_space<vmem>>[vector<16xi32>, vector<16xi32>], vector<16xf32>,
      %add3A_723 = arith.constant 48 : i32
      %add3A_724 = vector.broadcast %add3A_723 : i32 to vector<16xi32>
      %add3A_725 = arith.addi %iota3A, %add3A_724 : vector<16xi32>
      tpu.vector_store_idx %arg8[%add3A_725, %broadcast_in_dim3A_694], %gather3A_722 : memref<64x256xf32, #tpu.memory_space<vmem>>[vector<16xi32>, vector<16xi32>], vector<16xf32>,
      %dma_wait3A_726 = arith.constant 128 : i32
      %dma_wait3A_727 = arith.constant 0 : i32
      %dma_wait3A_728 = tpu.memref_slice %arg7[%dma_wait3A_726, %dma_wait3A_727] : memref<512x128xf32, #tpu.memory_space<vmem>> -> memref<64x128xf32, #tpu.memory_space<vmem>>
      %dma_wait3A_729 = arith.constant 0 : i32
      %dma_wait3A_730 = arith.constant 0 : i32
      %dma_wait3A_731 = tpu.memref_slice %arg3[%dma_wait3A_729, %dma_wait3A_730] : memref<64x1000000xf32, #tpu.memory_space<hbm>> -> memref<64x128xf32, #tpu.memory_space<hbm>>
      %dma_wait3A_732 = arith.constant 128 : i32
      %dma_wait3A_733 = arith.constant 0 : i32
      %dma_wait3A_734 = tpu.memref_slice %arg7[%dma_wait3A_732, %dma_wait3A_733] : memref<512x128xf32, #tpu.memory_space<vmem>> -> memref<64x128xf32, #tpu.memory_space<vmem>>
      %dma_wait3A_735 = arith.constant 0 : i32
      %dma_wait3A_736 = arith.constant 0 : i32
      %dma_wait3A_737 = tpu.memref_slice %arg3[%dma_wait3A_735, %dma_wait3A_736] : memref<64x1000000xf32, #tpu.memory_space<hbm>> -> memref<64x128xf32, #tpu.memory_space<hbm>>
      tpu.wait_dma2 semaphore(%arg12 : memref<!tpu.dma_semaphore, #tpu.memory_space<semaphore_mem>>) src(%dma_wait3A_737 : memref<64x128xf32, #tpu.memory_space<hbm>>) dst(%dma_wait3A_734 : memref<64x128xf32, #tpu.memory_space<vmem>>)
      %mul3A_738 = arith.constant 16 : i32
      %mul3A_739 = arith.muli %add3A_31, %mul3A_738 : i32
      %add3A_740 = arith.constant 10 : i32
      %add3A_741 = arith.addi %mul3A_739, %add3A_740 : i32
      %broadcast_in_dim3A_742 = vector.broadcast %add3A_741 : i32 to vector<16xi32>
      %slice3A_743 = vector.extract_strided_slice %and3A_42 {offsets = [10], sizes = [1], strides = [1]} : vector<16xi32> to vector<1xi32>
      %squeeze3A_744 = vector.extract %slice3A_743[0] : i32 from vector<1xi32>
      %broadcast_in_dim3A_745 = vector.broadcast %squeeze3A_744 : i32 to vector<16xi32>
      %add3A_746 = arith.constant 128 : i32
      %add3A_747 = vector.broadcast %add3A_746 : i32 to vector<16xi32>
      %add3A_748 = arith.addi %iota3A, %add3A_747 : vector<16xi32>
      %gather3A_749 = tpu.vector_load_idx %arg7[%add3A_748, %broadcast_in_dim3A_745] : memref<512x128xf32, #tpu.memory_space<vmem>>[vector<16xi32>, vector<16xi32>], vector<16xf32>,
      %add3A_750 = arith.constant 0 : i32
      %add3A_751 = vector.broadcast %add3A_750 : i32 to vector<16xi32>
      %add3A_752 = arith.addi %iota3A, %add3A_751 : vector<16xi32>
      tpu.vector_store_idx %arg8[%add3A_752, %broadcast_in_dim3A_742], %gather3A_749 : memref<64x256xf32, #tpu.memory_space<vmem>>[vector<16xi32>, vector<16xi32>], vector<16xf32>,
      %add3A_753 = arith.constant 144 : i32
      %add3A_754 = vector.broadcast %add3A_753 : i32 to vector<16xi32>
      %add3A_755 = arith.addi %iota3A, %add3A_754 : vector<16xi32>
      %gather3A_756 = tpu.vector_load_idx %arg7[%add3A_755, %broadcast_in_dim3A_745] : memref<512x128xf32, #tpu.memory_space<vmem>>[vector<16xi32>, vector<16xi32>], vector<16xf32>,
      %add3A_757 = arith.constant 16 : i32
      %add3A_758 = vector.broadcast %add3A_757 : i32 to vector<16xi32>
      %add3A_759 = arith.addi %iota3A, %add3A_758 : vector<16xi32>
      tpu.vector_store_idx %arg8[%add3A_759, %broadcast_in_dim3A_742], %gather3A_756 : memref<64x256xf32, #tpu.memory_space<vmem>>[vector<16xi32>, vector<16xi32>], vector<16xf32>,
      %add3A_760 = arith.constant 160 : i32
      %add3A_761 = vector.broadcast %add3A_760 : i32 to vector<16xi32>
      %add3A_762 = arith.addi %iota3A, %add3A_761 : vector<16xi32>
      %gather3A_763 = tpu.vector_load_idx %arg7[%add3A_762, %broadcast_in_dim3A_745] : memref<512x128xf32, #tpu.memory_space<vmem>>[vector<16xi32>, vector<16xi32>], vector<16xf32>,
      %add3A_764 = arith.constant 32 : i32
      %add3A_765 = vector.broadcast %add3A_764 : i32 to vector<16xi32>
      %add3A_766 = arith.addi %iota3A, %add3A_765 : vector<16xi32>
      tpu.vector_store_idx %arg8[%add3A_766, %broadcast_in_dim3A_742], %gather3A_763 : memref<64x256xf32, #tpu.memory_space<vmem>>[vector<16xi32>, vector<16xi32>], vector<16xf32>,
      %add3A_767 = arith.constant 176 : i32
      %add3A_768 = vector.broadcast %add3A_767 : i32 to vector<16xi32>
      %add3A_769 = arith.addi %iota3A, %add3A_768 : vector<16xi32>
      %gather3A_770 = tpu.vector_load_idx %arg7[%add3A_769, %broadcast_in_dim3A_745] : memref<512x128xf32, #tpu.memory_space<vmem>>[vector<16xi32>, vector<16xi32>], vector<16xf32>,
      %add3A_771 = arith.constant 48 : i32
      %add3A_772 = vector.broadcast %add3A_771 : i32 to vector<16xi32>
      %add3A_773 = arith.addi %iota3A, %add3A_772 : vector<16xi32>
      tpu.vector_store_idx %arg8[%add3A_773, %broadcast_in_dim3A_742], %gather3A_770 : memref<64x256xf32, #tpu.memory_space<vmem>>[vector<16xi32>, vector<16xi32>], vector<16xf32>,
      %dma_wait3A_774 = arith.constant 192 : i32
      %dma_wait3A_775 = arith.constant 0 : i32
      %dma_wait3A_776 = tpu.memref_slice %arg7[%dma_wait3A_774, %dma_wait3A_775] : memref<512x128xf32, #tpu.memory_space<vmem>> -> memref<64x128xf32, #tpu.memory_space<vmem>>
      %dma_wait3A_777 = arith.constant 0 : i32
      %dma_wait3A_778 = arith.constant 0 : i32
      %dma_wait3A_779 = tpu.memref_slice %arg3[%dma_wait3A_777, %dma_wait3A_778] : memref<64x1000000xf32, #tpu.memory_space<hbm>> -> memref<64x128xf32, #tpu.memory_space<hbm>>
      %dma_wait3A_780 = arith.constant 192 : i32
      %dma_wait3A_781 = arith.constant 0 : i32
      %dma_wait3A_782 = tpu.memref_slice %arg7[%dma_wait3A_780, %dma_wait3A_781] : memref<512x128xf32, #tpu.memory_space<vmem>> -> memref<64x128xf32, #tpu.memory_space<vmem>>
      %dma_wait3A_783 = arith.constant 0 : i32
      %dma_wait3A_784 = arith.constant 0 : i32
      %dma_wait3A_785 = tpu.memref_slice %arg3[%dma_wait3A_783, %dma_wait3A_784] : memref<64x1000000xf32, #tpu.memory_space<hbm>> -> memref<64x128xf32, #tpu.memory_space<hbm>>
      tpu.wait_dma2 semaphore(%arg13 : memref<!tpu.dma_semaphore, #tpu.memory_space<semaphore_mem>>) src(%dma_wait3A_785 : memref<64x128xf32, #tpu.memory_space<hbm>>) dst(%dma_wait3A_782 : memref<64x128xf32, #tpu.memory_space<vmem>>)
      %mul3A_786 = arith.constant 16 : i32
      %mul3A_787 = arith.muli %add3A_31, %mul3A_786 : i32
      %add3A_788 = arith.constant 11 : i32
      %add3A_789 = arith.addi %mul3A_787, %add3A_788 : i32
      %broadcast_in_dim3A_790 = vector.broadcast %add3A_789 : i32 to vector<16xi32>
      %slice3A_791 = vector.extract_strided_slice %and3A_42 {offsets = [11], sizes = [1], strides = [1]} : vector<16xi32> to vector<1xi32>
      %squeeze3A_792 = vector.extract %slice3A_791[0] : i32 from vector<1xi32>
      %broadcast_in_dim3A_793 = vector.broadcast %squeeze3A_792 : i32 to vector<16xi32>
      %add3A_794 = arith.constant 192 : i32
      %add3A_795 = vector.broadcast %add3A_794 : i32 to vector<16xi32>
      %add3A_796 = arith.addi %iota3A, %add3A_795 : vector<16xi32>
      %gather3A_797 = tpu.vector_load_idx %arg7[%add3A_796, %broadcast_in_dim3A_793] : memref<512x128xf32, #tpu.memory_space<vmem>>[vector<16xi32>, vector<16xi32>], vector<16xf32>,
      %add3A_798 = arith.constant 0 : i32
      %add3A_799 = vector.broadcast %add3A_798 : i32 to vector<16xi32>
      %add3A_800 = arith.addi %iota3A, %add3A_799 : vector<16xi32>
      tpu.vector_store_idx %arg8[%add3A_800, %broadcast_in_dim3A_790], %gather3A_797 : memref<64x256xf32, #tpu.memory_space<vmem>>[vector<16xi32>, vector<16xi32>], vector<16xf32>,
      %add3A_801 = arith.constant 208 : i32
      %add3A_802 = vector.broadcast %add3A_801 : i32 to vector<16xi32>
      %add3A_803 = arith.addi %iota3A, %add3A_802 : vector<16xi32>
      %gather3A_804 = tpu.vector_load_idx %arg7[%add3A_803, %broadcast_in_dim3A_793] : memref<512x128xf32, #tpu.memory_space<vmem>>[vector<16xi32>, vector<16xi32>], vector<16xf32>,
      %add3A_805 = arith.constant 16 : i32
      %add3A_806 = vector.broadcast %add3A_805 : i32 to vector<16xi32>
      %add3A_807 = arith.addi %iota3A, %add3A_806 : vector<16xi32>
      tpu.vector_store_idx %arg8[%add3A_807, %broadcast_in_dim3A_790], %gather3A_804 : memref<64x256xf32, #tpu.memory_space<vmem>>[vector<16xi32>, vector<16xi32>], vector<16xf32>,
      %add3A_808 = arith.constant 224 : i32
      %add3A_809 = vector.broadcast %add3A_808 : i32 to vector<16xi32>
      %add3A_810 = arith.addi %iota3A, %add3A_809 : vector<16xi32>
      %gather3A_811 = tpu.vector_load_idx %arg7[%add3A_810, %broadcast_in_dim3A_793] : memref<512x128xf32, #tpu.memory_space<vmem>>[vector<16xi32>, vector<16xi32>], vector<16xf32>,
      %add3A_812 = arith.constant 32 : i32
      %add3A_813 = vector.broadcast %add3A_812 : i32 to vector<16xi32>
      %add3A_814 = arith.addi %iota3A, %add3A_813 : vector<16xi32>
      tpu.vector_store_idx %arg8[%add3A_814, %broadcast_in_dim3A_790], %gather3A_811 : memref<64x256xf32, #tpu.memory_space<vmem>>[vector<16xi32>, vector<16xi32>], vector<16xf32>,
      %add3A_815 = arith.constant 240 : i32
      %add3A_816 = vector.broadcast %add3A_815 : i32 to vector<16xi32>
      %add3A_817 = arith.addi %iota3A, %add3A_816 : vector<16xi32>
      %gather3A_818 = tpu.vector_load_idx %arg7[%add3A_817, %broadcast_in_dim3A_793] : memref<512x128xf32, #tpu.memory_space<vmem>>[vector<16xi32>, vector<16xi32>], vector<16xf32>,
      %add3A_819 = arith.constant 48 : i32
      %add3A_820 = vector.broadcast %add3A_819 : i32 to vector<16xi32>
      %add3A_821 = arith.addi %iota3A, %add3A_820 : vector<16xi32>
      tpu.vector_store_idx %arg8[%add3A_821, %broadcast_in_dim3A_790], %gather3A_818 : memref<64x256xf32, #tpu.memory_space<vmem>>[vector<16xi32>, vector<16xi32>], vector<16xf32>,
      %dma_wait3A_822 = arith.constant 256 : i32
      %dma_wait3A_823 = arith.constant 0 : i32
      %dma_wait3A_824 = tpu.memref_slice %arg7[%dma_wait3A_822, %dma_wait3A_823] : memref<512x128xf32, #tpu.memory_space<vmem>> -> memref<64x128xf32, #tpu.memory_space<vmem>>
      %dma_wait3A_825 = arith.constant 0 : i32
      %dma_wait3A_826 = arith.constant 0 : i32
      %dma_wait3A_827 = tpu.memref_slice %arg3[%dma_wait3A_825, %dma_wait3A_826] : memref<64x1000000xf32, #tpu.memory_space<hbm>> -> memref<64x128xf32, #tpu.memory_space<hbm>>
      %dma_wait3A_828 = arith.constant 256 : i32
      %dma_wait3A_829 = arith.constant 0 : i32
      %dma_wait3A_830 = tpu.memref_slice %arg7[%dma_wait3A_828, %dma_wait3A_829] : memref<512x128xf32, #tpu.memory_space<vmem>> -> memref<64x128xf32, #tpu.memory_space<vmem>>
      %dma_wait3A_831 = arith.constant 0 : i32
      %dma_wait3A_832 = arith.constant 0 : i32
      %dma_wait3A_833 = tpu.memref_slice %arg3[%dma_wait3A_831, %dma_wait3A_832] : memref<64x1000000xf32, #tpu.memory_space<hbm>> -> memref<64x128xf32, #tpu.memory_space<hbm>>
      tpu.wait_dma2 semaphore(%arg14 : memref<!tpu.dma_semaphore, #tpu.memory_space<semaphore_mem>>) src(%dma_wait3A_833 : memref<64x128xf32, #tpu.memory_space<hbm>>) dst(%dma_wait3A_830 : memref<64x128xf32, #tpu.memory_space<vmem>>)
      %mul3A_834 = arith.constant 16 : i32
      %mul3A_835 = arith.muli %add3A_31, %mul3A_834 : i32
      %add3A_836 = arith.constant 12 : i32
      %add3A_837 = arith.addi %mul3A_835, %add3A_836 : i32
      %broadcast_in_dim3A_838 = vector.broadcast %add3A_837 : i32 to vector<16xi32>
      %slice3A_839 = vector.extract_strided_slice %and3A_42 {offsets = [12], sizes = [1], strides = [1]} : vector<16xi32> to vector<1xi32>
      %squeeze3A_840 = vector.extract %slice3A_839[0] : i32 from vector<1xi32>
      %broadcast_in_dim3A_841 = vector.broadcast %squeeze3A_840 : i32 to vector<16xi32>
      %add3A_842 = arith.constant 256 : i32
      %add3A_843 = vector.broadcast %add3A_842 : i32 to vector<16xi32>
      %add3A_844 = arith.addi %iota3A, %add3A_843 : vector<16xi32>
      %gather3A_845 = tpu.vector_load_idx %arg7[%add3A_844, %broadcast_in_dim3A_841] : memref<512x128xf32, #tpu.memory_space<vmem>>[vector<16xi32>, vector<16xi32>], vector<16xf32>,
      %add3A_846 = arith.constant 0 : i32
      %add3A_847 = vector.broadcast %add3A_846 : i32 to vector<16xi32>
      %add3A_848 = arith.addi %iota3A, %add3A_847 : vector<16xi32>
      tpu.vector_store_idx %arg8[%add3A_848, %broadcast_in_dim3A_838], %gather3A_845 : memref<64x256xf32, #tpu.memory_space<vmem>>[vector<16xi32>, vector<16xi32>], vector<16xf32>,
      %add3A_849 = arith.constant 272 : i32
      %add3A_850 = vector.broadcast %add3A_849 : i32 to vector<16xi32>
      %add3A_851 = arith.addi %iota3A, %add3A_850 : vector<16xi32>
      %gather3A_852 = tpu.vector_load_idx %arg7[%add3A_851, %broadcast_in_dim3A_841] : memref<512x128xf32, #tpu.memory_space<vmem>>[vector<16xi32>, vector<16xi32>], vector<16xf32>,
      %add3A_853 = arith.constant 16 : i32
      %add3A_854 = vector.broadcast %add3A_853 : i32 to vector<16xi32>
      %add3A_855 = arith.addi %iota3A, %add3A_854 : vector<16xi32>
      tpu.vector_store_idx %arg8[%add3A_855, %broadcast_in_dim3A_838], %gather3A_852 : memref<64x256xf32, #tpu.memory_space<vmem>>[vector<16xi32>, vector<16xi32>], vector<16xf32>,
      %add3A_856 = arith.constant 288 : i32
      %add3A_857 = vector.broadcast %add3A_856 : i32 to vector<16xi32>
      %add3A_858 = arith.addi %iota3A, %add3A_857 : vector<16xi32>
      %gather3A_859 = tpu.vector_load_idx %arg7[%add3A_858, %broadcast_in_dim3A_841] : memref<512x128xf32, #tpu.memory_space<vmem>>[vector<16xi32>, vector<16xi32>], vector<16xf32>,
      %add3A_860 = arith.constant 32 : i32
      %add3A_861 = vector.broadcast %add3A_860 : i32 to vector<16xi32>
      %add3A_862 = arith.addi %iota3A, %add3A_861 : vector<16xi32>
      tpu.vector_store_idx %arg8[%add3A_862, %broadcast_in_dim3A_838], %gather3A_859 : memref<64x256xf32, #tpu.memory_space<vmem>>[vector<16xi32>, vector<16xi32>], vector<16xf32>,
      %add3A_863 = arith.constant 304 : i32
      %add3A_864 = vector.broadcast %add3A_863 : i32 to vector<16xi32>
      %add3A_865 = arith.addi %iota3A, %add3A_864 : vector<16xi32>
      %gather3A_866 = tpu.vector_load_idx %arg7[%add3A_865, %broadcast_in_dim3A_841] : memref<512x128xf32, #tpu.memory_space<vmem>>[vector<16xi32>, vector<16xi32>], vector<16xf32>,
      %add3A_867 = arith.constant 48 : i32
      %add3A_868 = vector.broadcast %add3A_867 : i32 to vector<16xi32>
      %add3A_869 = arith.addi %iota3A, %add3A_868 : vector<16xi32>
      tpu.vector_store_idx %arg8[%add3A_869, %broadcast_in_dim3A_838], %gather3A_866 : memref<64x256xf32, #tpu.memory_space<vmem>>[vector<16xi32>, vector<16xi32>], vector<16xf32>,
      %dma_wait3A_870 = arith.constant 320 : i32
      %dma_wait3A_871 = arith.constant 0 : i32
      %dma_wait3A_872 = tpu.memref_slice %arg7[%dma_wait3A_870, %dma_wait3A_871] : memref<512x128xf32, #tpu.memory_space<vmem>> -> memref<64x128xf32, #tpu.memory_space<vmem>>
      %dma_wait3A_873 = arith.constant 0 : i32
      %dma_wait3A_874 = arith.constant 0 : i32
      %dma_wait3A_875 = tpu.memref_slice %arg3[%dma_wait3A_873, %dma_wait3A_874] : memref<64x1000000xf32, #tpu.memory_space<hbm>> -> memref<64x128xf32, #tpu.memory_space<hbm>>
      %dma_wait3A_876 = arith.constant 320 : i32
      %dma_wait3A_877 = arith.constant 0 : i32
      %dma_wait3A_878 = tpu.memref_slice %arg7[%dma_wait3A_876, %dma_wait3A_877] : memref<512x128xf32, #tpu.memory_space<vmem>> -> memref<64x128xf32, #tpu.memory_space<vmem>>
      %dma_wait3A_879 = arith.constant 0 : i32
      %dma_wait3A_880 = arith.constant 0 : i32
      %dma_wait3A_881 = tpu.memref_slice %arg3[%dma_wait3A_879, %dma_wait3A_880] : memref<64x1000000xf32, #tpu.memory_space<hbm>> -> memref<64x128xf32, #tpu.memory_space<hbm>>
      tpu.wait_dma2 semaphore(%arg15 : memref<!tpu.dma_semaphore, #tpu.memory_space<semaphore_mem>>) src(%dma_wait3A_881 : memref<64x128xf32, #tpu.memory_space<hbm>>) dst(%dma_wait3A_878 : memref<64x128xf32, #tpu.memory_space<vmem>>)
      %mul3A_882 = arith.constant 16 : i32
      %mul3A_883 = arith.muli %add3A_31, %mul3A_882 : i32
      %add3A_884 = arith.constant 13 : i32
      %add3A_885 = arith.addi %mul3A_883, %add3A_884 : i32
      %broadcast_in_dim3A_886 = vector.broadcast %add3A_885 : i32 to vector<16xi32>
      %slice3A_887 = vector.extract_strided_slice %and3A_42 {offsets = [13], sizes = [1], strides = [1]} : vector<16xi32> to vector<1xi32>
      %squeeze3A_888 = vector.extract %slice3A_887[0] : i32 from vector<1xi32>
      %broadcast_in_dim3A_889 = vector.broadcast %squeeze3A_888 : i32 to vector<16xi32>
      %add3A_890 = arith.constant 320 : i32
      %add3A_891 = vector.broadcast %add3A_890 : i32 to vector<16xi32>
      %add3A_892 = arith.addi %iota3A, %add3A_891 : vector<16xi32>
      %gather3A_893 = tpu.vector_load_idx %arg7[%add3A_892, %broadcast_in_dim3A_889] : memref<512x128xf32, #tpu.memory_space<vmem>>[vector<16xi32>, vector<16xi32>], vector<16xf32>,
      %add3A_894 = arith.constant 0 : i32
      %add3A_895 = vector.broadcast %add3A_894 : i32 to vector<16xi32>
      %add3A_896 = arith.addi %iota3A, %add3A_895 : vector<16xi32>
      tpu.vector_store_idx %arg8[%add3A_896, %broadcast_in_dim3A_886], %gather3A_893 : memref<64x256xf32, #tpu.memory_space<vmem>>[vector<16xi32>, vector<16xi32>], vector<16xf32>,
      %add3A_897 = arith.constant 336 : i32
      %add3A_898 = vector.broadcast %add3A_897 : i32 to vector<16xi32>
      %add3A_899 = arith.addi %iota3A, %add3A_898 : vector<16xi32>
      %gather3A_900 = tpu.vector_load_idx %arg7[%add3A_899, %broadcast_in_dim3A_889] : memref<512x128xf32, #tpu.memory_space<vmem>>[vector<16xi32>, vector<16xi32>], vector<16xf32>,
      %add3A_901 = arith.constant 16 : i32
      %add3A_902 = vector.broadcast %add3A_901 : i32 to vector<16xi32>
      %add3A_903 = arith.addi %iota3A, %add3A_902 : vector<16xi32>
      tpu.vector_store_idx %arg8[%add3A_903, %broadcast_in_dim3A_886], %gather3A_900 : memref<64x256xf32, #tpu.memory_space<vmem>>[vector<16xi32>, vector<16xi32>], vector<16xf32>,
      %add3A_904 = arith.constant 352 : i32
      %add3A_905 = vector.broadcast %add3A_904 : i32 to vector<16xi32>
      %add3A_906 = arith.addi %iota3A, %add3A_905 : vector<16xi32>
      %gather3A_907 = tpu.vector_load_idx %arg7[%add3A_906, %broadcast_in_dim3A_889] : memref<512x128xf32, #tpu.memory_space<vmem>>[vector<16xi32>, vector<16xi32>], vector<16xf32>,
      %add3A_908 = arith.constant 32 : i32
      %add3A_909 = vector.broadcast %add3A_908 : i32 to vector<16xi32>
      %add3A_910 = arith.addi %iota3A, %add3A_909 : vector<16xi32>
      tpu.vector_store_idx %arg8[%add3A_910, %broadcast_in_dim3A_886], %gather3A_907 : memref<64x256xf32, #tpu.memory_space<vmem>>[vector<16xi32>, vector<16xi32>], vector<16xf32>,
      %add3A_911 = arith.constant 368 : i32
      %add3A_912 = vector.broadcast %add3A_911 : i32 to vector<16xi32>
      %add3A_913 = arith.addi %iota3A, %add3A_912 : vector<16xi32>
      %gather3A_914 = tpu.vector_load_idx %arg7[%add3A_913, %broadcast_in_dim3A_889] : memref<512x128xf32, #tpu.memory_space<vmem>>[vector<16xi32>, vector<16xi32>], vector<16xf32>,
      %add3A_915 = arith.constant 48 : i32
      %add3A_916 = vector.broadcast %add3A_915 : i32 to vector<16xi32>
      %add3A_917 = arith.addi %iota3A, %add3A_916 : vector<16xi32>
      tpu.vector_store_idx %arg8[%add3A_917, %broadcast_in_dim3A_886], %gather3A_914 : memref<64x256xf32, #tpu.memory_space<vmem>>[vector<16xi32>, vector<16xi32>], vector<16xf32>,
      %dma_wait3A_918 = arith.constant 384 : i32
      %dma_wait3A_919 = arith.constant 0 : i32
      %dma_wait3A_920 = tpu.memref_slice %arg7[%dma_wait3A_918, %dma_wait3A_919] : memref<512x128xf32, #tpu.memory_space<vmem>> -> memref<64x128xf32, #tpu.memory_space<vmem>>
      %dma_wait3A_921 = arith.constant 0 : i32
      %dma_wait3A_922 = arith.constant 0 : i32
      %dma_wait3A_923 = tpu.memref_slice %arg3[%dma_wait3A_921, %dma_wait3A_922] : memref<64x1000000xf32, #tpu.memory_space<hbm>> -> memref<64x128xf32, #tpu.memory_space<hbm>>
      %dma_wait3A_924 = arith.constant 384 : i32
      %dma_wait3A_925 = arith.constant 0 : i32
      %dma_wait3A_926 = tpu.memref_slice %arg7[%dma_wait3A_924, %dma_wait3A_925] : memref<512x128xf32, #tpu.memory_space<vmem>> -> memref<64x128xf32, #tpu.memory_space<vmem>>
      %dma_wait3A_927 = arith.constant 0 : i32
      %dma_wait3A_928 = arith.constant 0 : i32
      %dma_wait3A_929 = tpu.memref_slice %arg3[%dma_wait3A_927, %dma_wait3A_928] : memref<64x1000000xf32, #tpu.memory_space<hbm>> -> memref<64x128xf32, #tpu.memory_space<hbm>>
      tpu.wait_dma2 semaphore(%arg16 : memref<!tpu.dma_semaphore, #tpu.memory_space<semaphore_mem>>) src(%dma_wait3A_929 : memref<64x128xf32, #tpu.memory_space<hbm>>) dst(%dma_wait3A_926 : memref<64x128xf32, #tpu.memory_space<vmem>>)
      %mul3A_930 = arith.constant 16 : i32
      %mul3A_931 = arith.muli %add3A_31, %mul3A_930 : i32
      %add3A_932 = arith.constant 14 : i32
      %add3A_933 = arith.addi %mul3A_931, %add3A_932 : i32
      %broadcast_in_dim3A_934 = vector.broadcast %add3A_933 : i32 to vector<16xi32>
      %slice3A_935 = vector.extract_strided_slice %and3A_42 {offsets = [14], sizes = [1], strides = [1]} : vector<16xi32> to vector<1xi32>
      %squeeze3A_936 = vector.extract %slice3A_935[0] : i32 from vector<1xi32>
      %broadcast_in_dim3A_937 = vector.broadcast %squeeze3A_936 : i32 to vector<16xi32>
      %add3A_938 = arith.constant 384 : i32
      %add3A_939 = vector.broadcast %add3A_938 : i32 to vector<16xi32>
      %add3A_940 = arith.addi %iota3A, %add3A_939 : vector<16xi32>
      %gather3A_941 = tpu.vector_load_idx %arg7[%add3A_940, %broadcast_in_dim3A_937] : memref<512x128xf32, #tpu.memory_space<vmem>>[vector<16xi32>, vector<16xi32>], vector<16xf32>,
      %add3A_942 = arith.constant 0 : i32
      %add3A_943 = vector.broadcast %add3A_942 : i32 to vector<16xi32>
      %add3A_944 = arith.addi %iota3A, %add3A_943 : vector<16xi32>
      tpu.vector_store_idx %arg8[%add3A_944, %broadcast_in_dim3A_934], %gather3A_941 : memref<64x256xf32, #tpu.memory_space<vmem>>[vector<16xi32>, vector<16xi32>], vector<16xf32>,
      %add3A_945 = arith.constant 400 : i32
      %add3A_946 = vector.broadcast %add3A_945 : i32 to vector<16xi32>
      %add3A_947 = arith.addi %iota3A, %add3A_946 : vector<16xi32>
      %gather3A_948 = tpu.vector_load_idx %arg7[%add3A_947, %broadcast_in_dim3A_937] : memref<512x128xf32, #tpu.memory_space<vmem>>[vector<16xi32>, vector<16xi32>], vector<16xf32>,
      %add3A_949 = arith.constant 16 : i32
      %add3A_950 = vector.broadcast %add3A_949 : i32 to vector<16xi32>
      %add3A_951 = arith.addi %iota3A, %add3A_950 : vector<16xi32>
      tpu.vector_store_idx %arg8[%add3A_951, %broadcast_in_dim3A_934], %gather3A_948 : memref<64x256xf32, #tpu.memory_space<vmem>>[vector<16xi32>, vector<16xi32>], vector<16xf32>,
      %add3A_952 = arith.constant 416 : i32
      %add3A_953 = vector.broadcast %add3A_952 : i32 to vector<16xi32>
      %add3A_954 = arith.addi %iota3A, %add3A_953 : vector<16xi32>
      %gather3A_955 = tpu.vector_load_idx %arg7[%add3A_954, %broadcast_in_dim3A_937] : memref<512x128xf32, #tpu.memory_space<vmem>>[vector<16xi32>, vector<16xi32>], vector<16xf32>,
      %add3A_956 = arith.constant 32 : i32
      %add3A_957 = vector.broadcast %add3A_956 : i32 to vector<16xi32>
      %add3A_958 = arith.addi %iota3A, %add3A_957 : vector<16xi32>
      tpu.vector_store_idx %arg8[%add3A_958, %broadcast_in_dim3A_934], %gather3A_955 : memref<64x256xf32, #tpu.memory_space<vmem>>[vector<16xi32>, vector<16xi32>], vector<16xf32>,
      %add3A_959 = arith.constant 432 : i32
      %add3A_960 = vector.broadcast %add3A_959 : i32 to vector<16xi32>
      %add3A_961 = arith.addi %iota3A, %add3A_960 : vector<16xi32>
      %gather3A_962 = tpu.vector_load_idx %arg7[%add3A_961, %broadcast_in_dim3A_937] : memref<512x128xf32, #tpu.memory_space<vmem>>[vector<16xi32>, vector<16xi32>], vector<16xf32>,
      %add3A_963 = arith.constant 48 : i32
      %add3A_964 = vector.broadcast %add3A_963 : i32 to vector<16xi32>
      %add3A_965 = arith.addi %iota3A, %add3A_964 : vector<16xi32>
      tpu.vector_store_idx %arg8[%add3A_965, %broadcast_in_dim3A_934], %gather3A_962 : memref<64x256xf32, #tpu.memory_space<vmem>>[vector<16xi32>, vector<16xi32>], vector<16xf32>,
      %dma_wait3A_966 = arith.constant 448 : i32
      %dma_wait3A_967 = arith.constant 0 : i32
      %dma_wait3A_968 = tpu.memref_slice %arg7[%dma_wait3A_966, %dma_wait3A_967] : memref<512x128xf32, #tpu.memory_space<vmem>> -> memref<64x128xf32, #tpu.memory_space<vmem>>
      %dma_wait3A_969 = arith.constant 0 : i32
      %dma_wait3A_970 = arith.constant 0 : i32
      %dma_wait3A_971 = tpu.memref_slice %arg3[%dma_wait3A_969, %dma_wait3A_970] : memref<64x1000000xf32, #tpu.memory_space<hbm>> -> memref<64x128xf32, #tpu.memory_space<hbm>>
      %dma_wait3A_972 = arith.constant 448 : i32
      %dma_wait3A_973 = arith.constant 0 : i32
      %dma_wait3A_974 = tpu.memref_slice %arg7[%dma_wait3A_972, %dma_wait3A_973] : memref<512x128xf32, #tpu.memory_space<vmem>> -> memref<64x128xf32, #tpu.memory_space<vmem>>
      %dma_wait3A_975 = arith.constant 0 : i32
      %dma_wait3A_976 = arith.constant 0 : i32
      %dma_wait3A_977 = tpu.memref_slice %arg3[%dma_wait3A_975, %dma_wait3A_976] : memref<64x1000000xf32, #tpu.memory_space<hbm>> -> memref<64x128xf32, #tpu.memory_space<hbm>>
      tpu.wait_dma2 semaphore(%arg17 : memref<!tpu.dma_semaphore, #tpu.memory_space<semaphore_mem>>) src(%dma_wait3A_977 : memref<64x128xf32, #tpu.memory_space<hbm>>) dst(%dma_wait3A_974 : memref<64x128xf32, #tpu.memory_space<vmem>>)
      %mul3A_978 = arith.constant 16 : i32
      %mul3A_979 = arith.muli %add3A_31, %mul3A_978 : i32
      %add3A_980 = arith.constant 15 : i32
      %add3A_981 = arith.addi %mul3A_979, %add3A_980 : i32
      %broadcast_in_dim3A_982 = vector.broadcast %add3A_981 : i32 to vector<16xi32>
      %slice3A_983 = vector.extract_strided_slice %and3A_42 {offsets = [15], sizes = [1], strides = [1]} : vector<16xi32> to vector<1xi32>
      %squeeze3A_984 = vector.extract %slice3A_983[0] : i32 from vector<1xi32>
      %broadcast_in_dim3A_985 = vector.broadcast %squeeze3A_984 : i32 to vector<16xi32>
      %add3A_986 = arith.constant 448 : i32
      %add3A_987 = vector.broadcast %add3A_986 : i32 to vector<16xi32>
      %add3A_988 = arith.addi %iota3A, %add3A_987 : vector<16xi32>
      %gather3A_989 = tpu.vector_load_idx %arg7[%add3A_988, %broadcast_in_dim3A_985] : memref<512x128xf32, #tpu.memory_space<vmem>>[vector<16xi32>, vector<16xi32>], vector<16xf32>,
      %add3A_990 = arith.constant 0 : i32
      %add3A_991 = vector.broadcast %add3A_990 : i32 to vector<16xi32>
      %add3A_992 = arith.addi %iota3A, %add3A_991 : vector<16xi32>
      tpu.vector_store_idx %arg8[%add3A_992, %broadcast_in_dim3A_982], %gather3A_989 : memref<64x256xf32, #tpu.memory_space<vmem>>[vector<16xi32>, vector<16xi32>], vector<16xf32>,
      %add3A_993 = arith.constant 464 : i32
      %add3A_994 = vector.broadcast %add3A_993 : i32 to vector<16xi32>
      %add3A_995 = arith.addi %iota3A, %add3A_994 : vector<16xi32>
      %gather3A_996 = tpu.vector_load_idx %arg7[%add3A_995, %broadcast_in_dim3A_985] : memref<512x128xf32, #tpu.memory_space<vmem>>[vector<16xi32>, vector<16xi32>], vector<16xf32>,
      %add3A_997 = arith.constant 16 : i32
      %add3A_998 = vector.broadcast %add3A_997 : i32 to vector<16xi32>
      %add3A_999 = arith.addi %iota3A, %add3A_998 : vector<16xi32>
      tpu.vector_store_idx %arg8[%add3A_999, %broadcast_in_dim3A_982], %gather3A_996 : memref<64x256xf32, #tpu.memory_space<vmem>>[vector<16xi32>, vector<16xi32>], vector<16xf32>,
      %add3A_1000 = arith.constant 480 : i32
      %add3A_1001 = vector.broadcast %add3A_1000 : i32 to vector<16xi32>
      %add3A_1002 = arith.addi %iota3A, %add3A_1001 : vector<16xi32>
      %gather3A_1003 = tpu.vector_load_idx %arg7[%add3A_1002, %broadcast_in_dim3A_985] : memref<512x128xf32, #tpu.memory_space<vmem>>[vector<16xi32>, vector<16xi32>], vector<16xf32>,
      %add3A_1004 = arith.constant 32 : i32
      %add3A_1005 = vector.broadcast %add3A_1004 : i32 to vector<16xi32>
      %add3A_1006 = arith.addi %iota3A, %add3A_1005 : vector<16xi32>
      tpu.vector_store_idx %arg8[%add3A_1006, %broadcast_in_dim3A_982], %gather3A_1003 : memref<64x256xf32, #tpu.memory_space<vmem>>[vector<16xi32>, vector<16xi32>], vector<16xf32>,
      %add3A_1007 = arith.constant 496 : i32
      %add3A_1008 = vector.broadcast %add3A_1007 : i32 to vector<16xi32>
      %add3A_1009 = arith.addi %iota3A, %add3A_1008 : vector<16xi32>
      %gather3A_1010 = tpu.vector_load_idx %arg7[%add3A_1009, %broadcast_in_dim3A_985] : memref<512x128xf32, #tpu.memory_space<vmem>>[vector<16xi32>, vector<16xi32>], vector<16xf32>,
      %add3A_1011 = arith.constant 48 : i32
      %add3A_1012 = vector.broadcast %add3A_1011 : i32 to vector<16xi32>
      %add3A_1013 = arith.addi %iota3A, %add3A_1012 : vector<16xi32>
      tpu.vector_store_idx %arg8[%add3A_1013, %broadcast_in_dim3A_982], %gather3A_1010 : memref<64x256xf32, #tpu.memory_space<vmem>>[vector<16xi32>, vector<16xi32>], vector<16xf32>,
    }
    %scan3A_20 = arith.constant 16 : i32
    %scan3A_21 = arith.constant 0 : i32
    %scan3A_22 = arith.constant 64 : i32
    %scan3A_23 = arith.addi %scan3A_21, %scan3A_22 : i32
    %scan3A_24 = arith.constant 1 : i32
    scf.for %scan3A_27 = %scan3A_21 to %scan3A_23 step %scan3A_24  : i32 {
      %mul3A_28 = arith.constant 1 : i32
      %mul3A_29 = arith.muli %scan3A_27, %mul3A_28 : i32
      %add3A_30 = arith.constant 0 : i32
      %add3A_31 = arith.addi %add3A_30, %mul3A_29 : i32
      %get3A = arith.index_cast %add3A_31 : i32 to index
      %get3A_32 = arith.constant 0 : index
      %get3A_33 = tpu.vector_load %arg8[%get3A, %get3A_32] {strides = array<i32>} : memref<64x256xf32, #tpu.memory_space<vmem>>, vector<16xf32>,
      %get3A_34 = arith.index_cast %add3A_31 : i32 to index
      %get3A_35 = arith.constant 0 : index
      %get3A_36 = tpu.vector_load %arg9[%get3A_34, %get3A_35] {strides = array<i32>} : memref<64x256xf32, #tpu.memory_space<vmem>>, vector<16xf32>,
      %add3A_37 = arith.addf %get3A_33, %get3A_36 : vector<16xf32>
      %swap3A = arith.index_cast %add3A_31 : i32 to index
      %swap3A_38 = arith.constant 0 : index
      %swap3A_39 = tpu.vector_load %arg8[%swap3A, %swap3A_38] {strides = array<i32>} : memref<64x256xf32, #tpu.memory_space<vmem>>, vector<16xf32>,
      tpu.vector_store %arg8[%swap3A, %swap3A_38], %add3A_37 {strides = array<i32>} : memref<64x256xf32, #tpu.memory_space<vmem>>, vector<16xf32>,
      %get3A_40 = arith.index_cast %add3A_31 : i32 to index
      %get3A_41 = arith.constant 16 : index
      %get3A_42 = tpu.vector_load %arg8[%get3A_40, %get3A_41] {strides = array<i32>} : memref<64x256xf32, #tpu.memory_space<vmem>>, vector<16xf32>,
      %get3A_43 = arith.index_cast %add3A_31 : i32 to index
      %get3A_44 = arith.constant 16 : index
      %get3A_45 = tpu.vector_load %arg9[%get3A_43, %get3A_44] {strides = array<i32>} : memref<64x256xf32, #tpu.memory_space<vmem>>, vector<16xf32>,
      %add3A_46 = arith.addf %get3A_42, %get3A_45 : vector<16xf32>
      %swap3A_47 = arith.index_cast %add3A_31 : i32 to index
      %swap3A_48 = arith.constant 16 : index
      %swap3A_49 = tpu.vector_load %arg8[%swap3A_47, %swap3A_48] {strides = array<i32>} : memref<64x256xf32, #tpu.memory_space<vmem>>, vector<16xf32>,
      tpu.vector_store %arg8[%swap3A_47, %swap3A_48], %add3A_46 {strides = array<i32>} : memref<64x256xf32, #tpu.memory_space<vmem>>, vector<16xf32>,
      %get3A_50 = arith.index_cast %add3A_31 : i32 to index
      %get3A_51 = arith.constant 32 : index
      %get3A_52 = tpu.vector_load %arg8[%get3A_50, %get3A_51] {strides = array<i32>} : memref<64x256xf32, #tpu.memory_space<vmem>>, vector<16xf32>,
      %get3A_53 = arith.index_cast %add3A_31 : i32 to index
      %get3A_54 = arith.constant 32 : index
      %get3A_55 = tpu.vector_load %arg9[%get3A_53, %get3A_54] {strides = array<i32>} : memref<64x256xf32, #tpu.memory_space<vmem>>, vector<16xf32>,
      %add3A_56 = arith.addf %get3A_52, %get3A_55 : vector<16xf32>
      %swap3A_57 = arith.index_cast %add3A_31 : i32 to index
      %swap3A_58 = arith.constant 32 : index
      %swap3A_59 = tpu.vector_load %arg8[%swap3A_57, %swap3A_58] {strides = array<i32>} : memref<64x256xf32, #tpu.memory_space<vmem>>, vector<16xf32>,
      tpu.vector_store %arg8[%swap3A_57, %swap3A_58], %add3A_56 {strides = array<i32>} : memref<64x256xf32, #tpu.memory_space<vmem>>, vector<16xf32>,
      %get3A_60 = arith.index_cast %add3A_31 : i32 to index
      %get3A_61 = arith.constant 48 : index
      %get3A_62 = tpu.vector_load %arg8[%get3A_60, %get3A_61] {strides = array<i32>} : memref<64x256xf32, #tpu.memory_space<vmem>>, vector<16xf32>,
      %get3A_63 = arith.index_cast %add3A_31 : i32 to index
      %get3A_64 = arith.constant 48 : index
      %get3A_65 = tpu.vector_load %arg9[%get3A_63, %get3A_64] {strides = array<i32>} : memref<64x256xf32, #tpu.memory_space<vmem>>, vector<16xf32>,
      %add3A_66 = arith.addf %get3A_62, %get3A_65 : vector<16xf32>
      %swap3A_67 = arith.index_cast %add3A_31 : i32 to index
      %swap3A_68 = arith.constant 48 : index
      %swap3A_69 = tpu.vector_load %arg8[%swap3A_67, %swap3A_68] {strides = array<i32>} : memref<64x256xf32, #tpu.memory_space<vmem>>, vector<16xf32>,
      tpu.vector_store %arg8[%swap3A_67, %swap3A_68], %add3A_66 {strides = array<i32>} : memref<64x256xf32, #tpu.memory_space<vmem>>, vector<16xf32>,
      %get3A_70 = arith.index_cast %add3A_31 : i32 to index
      %get3A_71 = arith.constant 64 : index
      %get3A_72 = tpu.vector_load %arg8[%get3A_70, %get3A_71] {strides = array<i32>} : memref<64x256xf32, #tpu.memory_space<vmem>>, vector<16xf32>,
      %get3A_73 = arith.index_cast %add3A_31 : i32 to index
      %get3A_74 = arith.constant 64 : index
      %get3A_75 = tpu.vector_load %arg9[%get3A_73, %get3A_74] {strides = array<i32>} : memref<64x256xf32, #tpu.memory_space<vmem>>, vector<16xf32>,
      %add3A_76 = arith.addf %get3A_72, %get3A_75 : vector<16xf32>
      %swap3A_77 = arith.index_cast %add3A_31 : i32 to index
      %swap3A_78 = arith.constant 64 : index
      %swap3A_79 = tpu.vector_load %arg8[%swap3A_77, %swap3A_78] {strides = array<i32>} : memref<64x256xf32, #tpu.memory_space<vmem>>, vector<16xf32>,
      tpu.vector_store %arg8[%swap3A_77, %swap3A_78], %add3A_76 {strides = array<i32>} : memref<64x256xf32, #tpu.memory_space<vmem>>, vector<16xf32>,
      %get3A_80 = arith.index_cast %add3A_31 : i32 to index
      %get3A_81 = arith.constant 80 : index
      %get3A_82 = tpu.vector_load %arg8[%get3A_80, %get3A_81] {strides = array<i32>} : memref<64x256xf32, #tpu.memory_space<vmem>>, vector<16xf32>,
      %get3A_83 = arith.index_cast %add3A_31 : i32 to index
      %get3A_84 = arith.constant 80 : index
      %get3A_85 = tpu.vector_load %arg9[%get3A_83, %get3A_84] {strides = array<i32>} : memref<64x256xf32, #tpu.memory_space<vmem>>, vector<16xf32>,
      %add3A_86 = arith.addf %get3A_82, %get3A_85 : vector<16xf32>
      %swap3A_87 = arith.index_cast %add3A_31 : i32 to index
      %swap3A_88 = arith.constant 80 : index
      %swap3A_89 = tpu.vector_load %arg8[%swap3A_87, %swap3A_88] {strides = array<i32>} : memref<64x256xf32, #tpu.memory_space<vmem>>, vector<16xf32>,
      tpu.vector_store %arg8[%swap3A_87, %swap3A_88], %add3A_86 {strides = array<i32>} : memref<64x256xf32, #tpu.memory_space<vmem>>, vector<16xf32>,
      %get3A_90 = arith.index_cast %add3A_31 : i32 to index
      %get3A_91 = arith.constant 96 : index
      %get3A_92 = tpu.vector_load %arg8[%get3A_90, %get3A_91] {strides = array<i32>} : memref<64x256xf32, #tpu.memory_space<vmem>>, vector<16xf32>,
      %get3A_93 = arith.index_cast %add3A_31 : i32 to index
      %get3A_94 = arith.constant 96 : index
      %get3A_95 = tpu.vector_load %arg9[%get3A_93, %get3A_94] {strides = array<i32>} : memref<64x256xf32, #tpu.memory_space<vmem>>, vector<16xf32>,
      %add3A_96 = arith.addf %get3A_92, %get3A_95 : vector<16xf32>
      %swap3A_97 = arith.index_cast %add3A_31 : i32 to index
      %swap3A_98 = arith.constant 96 : index
      %swap3A_99 = tpu.vector_load %arg8[%swap3A_97, %swap3A_98] {strides = array<i32>} : memref<64x256xf32, #tpu.memory_space<vmem>>, vector<16xf32>,
      tpu.vector_store %arg8[%swap3A_97, %swap3A_98], %add3A_96 {strides = array<i32>} : memref<64x256xf32, #tpu.memory_space<vmem>>, vector<16xf32>,
      %get3A_100 = arith.index_cast %add3A_31 : i32 to index
      %get3A_101 = arith.constant 112 : index
      %get3A_102 = tpu.vector_load %arg8[%get3A_100, %get3A_101] {strides = array<i32>} : memref<64x256xf32, #tpu.memory_space<vmem>>, vector<16xf32>,
      %get3A_103 = arith.index_cast %add3A_31 : i32 to index
      %get3A_104 = arith.constant 112 : index
      %get3A_105 = tpu.vector_load %arg9[%get3A_103, %get3A_104] {strides = array<i32>} : memref<64x256xf32, #tpu.memory_space<vmem>>, vector<16xf32>,
      %add3A_106 = arith.addf %get3A_102, %get3A_105 : vector<16xf32>
      %swap3A_107 = arith.index_cast %add3A_31 : i32 to index
      %swap3A_108 = arith.constant 112 : index
      %swap3A_109 = tpu.vector_load %arg8[%swap3A_107, %swap3A_108] {strides = array<i32>} : memref<64x256xf32, #tpu.memory_space<vmem>>, vector<16xf32>,
      tpu.vector_store %arg8[%swap3A_107, %swap3A_108], %add3A_106 {strides = array<i32>} : memref<64x256xf32, #tpu.memory_space<vmem>>, vector<16xf32>,
      %get3A_110 = arith.index_cast %add3A_31 : i32 to index
      %get3A_111 = arith.constant 128 : index
      %get3A_112 = tpu.vector_load %arg8[%get3A_110, %get3A_111] {strides = array<i32>} : memref<64x256xf32, #tpu.memory_space<vmem>>, vector<16xf32>,
      %get3A_113 = arith.index_cast %add3A_31 : i32 to index
      %get3A_114 = arith.constant 128 : index
      %get3A_115 = tpu.vector_load %arg9[%get3A_113, %get3A_114] {strides = array<i32>} : memref<64x256xf32, #tpu.memory_space<vmem>>, vector<16xf32>,
      %add3A_116 = arith.addf %get3A_112, %get3A_115 : vector<16xf32>
      %swap3A_117 = arith.index_cast %add3A_31 : i32 to index
      %swap3A_118 = arith.constant 128 : index
      %swap3A_119 = tpu.vector_load %arg8[%swap3A_117, %swap3A_118] {strides = array<i32>} : memref<64x256xf32, #tpu.memory_space<vmem>>, vector<16xf32>,
      tpu.vector_store %arg8[%swap3A_117, %swap3A_118], %add3A_116 {strides = array<i32>} : memref<64x256xf32, #tpu.memory_space<vmem>>, vector<16xf32>,
      %get3A_120 = arith.index_cast %add3A_31 : i32 to index
      %get3A_121 = arith.constant 144 : index
      %get3A_122 = tpu.vector_load %arg8[%get3A_120, %get3A_121] {strides = array<i32>} : memref<64x256xf32, #tpu.memory_space<vmem>>, vector<16xf32>,
      %get3A_123 = arith.index_cast %add3A_31 : i32 to index
      %get3A_124 = arith.constant 144 : index
      %get3A_125 = tpu.vector_load %arg9[%get3A_123, %get3A_124] {strides = array<i32>} : memref<64x256xf32, #tpu.memory_space<vmem>>, vector<16xf32>,
      %add3A_126 = arith.addf %get3A_122, %get3A_125 : vector<16xf32>
      %swap3A_127 = arith.index_cast %add3A_31 : i32 to index
      %swap3A_128 = arith.constant 144 : index
      %swap3A_129 = tpu.vector_load %arg8[%swap3A_127, %swap3A_128] {strides = array<i32>} : memref<64x256xf32, #tpu.memory_space<vmem>>, vector<16xf32>,
      tpu.vector_store %arg8[%swap3A_127, %swap3A_128], %add3A_126 {strides = array<i32>} : memref<64x256xf32, #tpu.memory_space<vmem>>, vector<16xf32>,
      %get3A_130 = arith.index_cast %add3A_31 : i32 to index
      %get3A_131 = arith.constant 160 : index
      %get3A_132 = tpu.vector_load %arg8[%get3A_130, %get3A_131] {strides = array<i32>} : memref<64x256xf32, #tpu.memory_space<vmem>>, vector<16xf32>,
      %get3A_133 = arith.index_cast %add3A_31 : i32 to index
      %get3A_134 = arith.constant 160 : index
      %get3A_135 = tpu.vector_load %arg9[%get3A_133, %get3A_134] {strides = array<i32>} : memref<64x256xf32, #tpu.memory_space<vmem>>, vector<16xf32>,
      %add3A_136 = arith.addf %get3A_132, %get3A_135 : vector<16xf32>
      %swap3A_137 = arith.index_cast %add3A_31 : i32 to index
      %swap3A_138 = arith.constant 160 : index
      %swap3A_139 = tpu.vector_load %arg8[%swap3A_137, %swap3A_138] {strides = array<i32>} : memref<64x256xf32, #tpu.memory_space<vmem>>, vector<16xf32>,
      tpu.vector_store %arg8[%swap3A_137, %swap3A_138], %add3A_136 {strides = array<i32>} : memref<64x256xf32, #tpu.memory_space<vmem>>, vector<16xf32>,
      %get3A_140 = arith.index_cast %add3A_31 : i32 to index
      %get3A_141 = arith.constant 176 : index
      %get3A_142 = tpu.vector_load %arg8[%get3A_140, %get3A_141] {strides = array<i32>} : memref<64x256xf32, #tpu.memory_space<vmem>>, vector<16xf32>,
      %get3A_143 = arith.index_cast %add3A_31 : i32 to index
      %get3A_144 = arith.constant 176 : index
      %get3A_145 = tpu.vector_load %arg9[%get3A_143, %get3A_144] {strides = array<i32>} : memref<64x256xf32, #tpu.memory_space<vmem>>, vector<16xf32>,
      %add3A_146 = arith.addf %get3A_142, %get3A_145 : vector<16xf32>
      %swap3A_147 = arith.index_cast %add3A_31 : i32 to index
      %swap3A_148 = arith.constant 176 : index
      %swap3A_149 = tpu.vector_load %arg8[%swap3A_147, %swap3A_148] {strides = array<i32>} : memref<64x256xf32, #tpu.memory_space<vmem>>, vector<16xf32>,
      tpu.vector_store %arg8[%swap3A_147, %swap3A_148], %add3A_146 {strides = array<i32>} : memref<64x256xf32, #tpu.memory_space<vmem>>, vector<16xf32>,
      %get3A_150 = arith.index_cast %add3A_31 : i32 to index
      %get3A_151 = arith.constant 192 : index
      %get3A_152 = tpu.vector_load %arg8[%get3A_150, %get3A_151] {strides = array<i32>} : memref<64x256xf32, #tpu.memory_space<vmem>>, vector<16xf32>,
      %get3A_153 = arith.index_cast %add3A_31 : i32 to index
      %get3A_154 = arith.constant 192 : index
      %get3A_155 = tpu.vector_load %arg9[%get3A_153, %get3A_154] {strides = array<i32>} : memref<64x256xf32, #tpu.memory_space<vmem>>, vector<16xf32>,
      %add3A_156 = arith.addf %get3A_152, %get3A_155 : vector<16xf32>
      %swap3A_157 = arith.index_cast %add3A_31 : i32 to index
      %swap3A_158 = arith.constant 192 : index
      %swap3A_159 = tpu.vector_load %arg8[%swap3A_157, %swap3A_158] {strides = array<i32>} : memref<64x256xf32, #tpu.memory_space<vmem>>, vector<16xf32>,
      tpu.vector_store %arg8[%swap3A_157, %swap3A_158], %add3A_156 {strides = array<i32>} : memref<64x256xf32, #tpu.memory_space<vmem>>, vector<16xf32>,
      %get3A_160 = arith.index_cast %add3A_31 : i32 to index
      %get3A_161 = arith.constant 208 : index
      %get3A_162 = tpu.vector_load %arg8[%get3A_160, %get3A_161] {strides = array<i32>} : memref<64x256xf32, #tpu.memory_space<vmem>>, vector<16xf32>,
      %get3A_163 = arith.index_cast %add3A_31 : i32 to index
      %get3A_164 = arith.constant 208 : index
      %get3A_165 = tpu.vector_load %arg9[%get3A_163, %get3A_164] {strides = array<i32>} : memref<64x256xf32, #tpu.memory_space<vmem>>, vector<16xf32>,
      %add3A_166 = arith.addf %get3A_162, %get3A_165 : vector<16xf32>
      %swap3A_167 = arith.index_cast %add3A_31 : i32 to index
      %swap3A_168 = arith.constant 208 : index
      %swap3A_169 = tpu.vector_load %arg8[%swap3A_167, %swap3A_168] {strides = array<i32>} : memref<64x256xf32, #tpu.memory_space<vmem>>, vector<16xf32>,
      tpu.vector_store %arg8[%swap3A_167, %swap3A_168], %add3A_166 {strides = array<i32>} : memref<64x256xf32, #tpu.memory_space<vmem>>, vector<16xf32>,
      %get3A_170 = arith.index_cast %add3A_31 : i32 to index
      %get3A_171 = arith.constant 224 : index
      %get3A_172 = tpu.vector_load %arg8[%get3A_170, %get3A_171] {strides = array<i32>} : memref<64x256xf32, #tpu.memory_space<vmem>>, vector<16xf32>,
      %get3A_173 = arith.index_cast %add3A_31 : i32 to index
      %get3A_174 = arith.constant 224 : index
      %get3A_175 = tpu.vector_load %arg9[%get3A_173, %get3A_174] {strides = array<i32>} : memref<64x256xf32, #tpu.memory_space<vmem>>, vector<16xf32>,
      %add3A_176 = arith.addf %get3A_172, %get3A_175 : vector<16xf32>
      %swap3A_177 = arith.index_cast %add3A_31 : i32 to index
      %swap3A_178 = arith.constant 224 : index
      %swap3A_179 = tpu.vector_load %arg8[%swap3A_177, %swap3A_178] {strides = array<i32>} : memref<64x256xf32, #tpu.memory_space<vmem>>, vector<16xf32>,
      tpu.vector_store %arg8[%swap3A_177, %swap3A_178], %add3A_176 {strides = array<i32>} : memref<64x256xf32, #tpu.memory_space<vmem>>, vector<16xf32>,
      %get3A_180 = arith.index_cast %add3A_31 : i32 to index
      %get3A_181 = arith.constant 240 : index
      %get3A_182 = tpu.vector_load %arg8[%get3A_180, %get3A_181] {strides = array<i32>} : memref<64x256xf32, #tpu.memory_space<vmem>>, vector<16xf32>,
      %get3A_183 = arith.index_cast %add3A_31 : i32 to index
      %get3A_184 = arith.constant 240 : index
      %get3A_185 = tpu.vector_load %arg9[%get3A_183, %get3A_184] {strides = array<i32>} : memref<64x256xf32, #tpu.memory_space<vmem>>, vector<16xf32>,
      %add3A_186 = arith.addf %get3A_182, %get3A_185 : vector<16xf32>
      %swap3A_187 = arith.index_cast %add3A_31 : i32 to index
      %swap3A_188 = arith.constant 240 : index
      %swap3A_189 = tpu.vector_load %arg8[%swap3A_187, %swap3A_188] {strides = array<i32>} : memref<64x256xf32, #tpu.memory_space<vmem>>, vector<16xf32>,
      tpu.vector_store %arg8[%swap3A_187, %swap3A_188], %add3A_186 {strides = array<i32>} : memref<64x256xf32, #tpu.memory_space<vmem>>, vector<16xf32>,
    }
    %scan3A_25 = arith.constant 64 : i32
    "tpu.region"() ({
      %run_scoped3A = tpu.sem_alloc : memref<!tpu.dma_semaphore, #tpu.memory_space<semaphore_mem>>
      %dma_start3A_27 = arith.constant 0 : i32
      %dma_start3A_28 = tpu.memref_slice %arg5[%dma_start3A_27, %add3A_9] : memref<64x8192xf32, #tpu.memory_space<hbm>> -> memref<64x256xf32, #tpu.memory_space<hbm>>
      %dma_start3A_29 = arith.constant 0 : i32
      %dma_start3A_30 = tpu.memref_slice %arg5[%dma_start3A_29, %add3A_9] : memref<64x8192xf32, #tpu.memory_space<hbm>> -> memref<64x256xf32, #tpu.memory_space<hbm>>
      tpu.enqueue_dma source(%arg8 : memref<64x256xf32, #tpu.memory_space<vmem>>) target(%dma_start3A_30 : memref<64x256xf32, #tpu.memory_space<hbm>>) target_semaphore(%run_scoped3A : memref<!tpu.dma_semaphore, #tpu.memory_space<semaphore_mem>>)
      %dma_wait3A_31 = arith.constant 0 : i32
      %dma_wait3A_32 = tpu.memref_slice %arg5[%dma_wait3A_31, %add3A_9] : memref<64x8192xf32, #tpu.memory_space<hbm>> -> memref<64x256xf32, #tpu.memory_space<hbm>>
      %dma_wait3A_33 = arith.constant 0 : i32
      %dma_wait3A_34 = tpu.memref_slice %arg5[%dma_wait3A_33, %add3A_9] : memref<64x8192xf32, #tpu.memory_space<hbm>> -> memref<64x256xf32, #tpu.memory_space<hbm>>
      tpu.wait_dma2 semaphore(%run_scoped3A : memref<!tpu.dma_semaphore, #tpu.memory_space<semaphore_mem>>) src(%arg8 : memref<64x256xf32, #tpu.memory_space<vmem>>) dst(%dma_wait3A_34 : memref<64x256xf32, #tpu.memory_space<hbm>>)
      tpu.yield
    }) : () -> ()
    %scan3A_26 = arith.constant 1 : i32
    return
  }
}

</mosaic_0001>

<sc_bundles>
// kernel: kernel.3.cloned.1.call-start
scs
__scs_entry_jumppad:
0x0: {  	(pc) =	sbr.rel $0x88, $3  }
0x1: {  	(tag) =	ssettag $0x0;
	lr =	simm.s32 $0x1  }
0x2: {  	[smem:$0x3F9E] =	sst lr;
	_ =	strace $0xD0000000  }
0x3: {  	_ = 	snop  }
0x4: {  	_ = 	snop  }
0x5: {  	_ = 	snop  }
0x6: {  	_ = 	snop  }
0x7: {  	_ = 	snop  }
__scs_overlays_trampoline_lowered:
0x8: {  	[smem:$0x3FAD] =	sst s0  }
0x9: {  	[smem:$0x3FAE] =	sst s1  }
0xa: {  	[smem:$0x3FAF] =	sst s2  }
0xb: {  	[smem:$0x3FB0] =	sst s3  }
0xc: {  	[smem:$0x3FB1] =	sst s4  }
0xd: {  	[smem:$0x3FB2] =	sst s5  }
0xe: {  	[smem:$0x3FB3] =	sst s6  }
0xf: {  	[smem:$0x3FB4] =	sst s7  }
0x10: {  	[smem:$0x3FB5] =	sst s8  }
0x11: {  	[smem:$0x3FB6] =	sst s9;
	s0 =	simm.s32 @!p0 $0x0  }
0x12: {  	s1 =	sld [smem:$0x3F9C];
	s0 =	simm.s32 @p0 $0x1  }
0x13: {  	[smem:$0x3FB7] =	sst s0;
	s0 =	simm.s32 @!p1 $0x0  }
0x14: {  	s2 =	sld [smem:$0x3F9B];
	s0 =	simm.s32 @p1 $0x1  }
0x15: {  	[smem:$0x3FB8] =	sst s0;
	s0 =	simm.s32 @!p2 $0x0  }
0x16: {  	s3 =	sld [smem:$0x3FDB];
	s0 =	simm.s32 @p2 $0x1  }
0x17: {  	s4 =	simm.s32 $0x1BF5;
	[smem:$0x3FBA] =	sst s0  }
0x18: {  	s0 =	sld [smem:$0x3F9D];
	_ =	swait.ge [sflag:s4], $0x0  }
0x19: {  	s7 =	sld [smem:$0x3F9E]  }
0x1a: {  	s8 =	sadd.s32 $0xFFFFE003, lr  }
0x1b: {  	s9 =	sadd.s32 $0xFFFFFEF7, lr;
	s5 =	simm.s32 $0xFFFFFFFF;
	p2 =	slt.u32 s8, $0xFFFFF086  }
0x1c: {  	p1 =	slt.u32 s9, $0xF7A;
	s5 =	simm.s32 @!p2 $0x0  }
0x1d: {  	s5 =	simm.s32 @p1 $0x1;
	p0 =	seq.s32 s7, s2  }
0x1e: {  	s7 =	smul.u32 @!p0 $0xF7A, s2;
	p2 =	seq.s32 @!p0 s5, $0x0  }
0x1f: {  	s9 =	smul.u32 $0xF7A, s1;
	s8 =	simm.s32 @!p0 $0x1BF5;
	p2 =	por !p2, p0  }
0x20: {  	[sflag:s8] =	ssyncset.s32 @!p0 $0xFFFFF086;
	s6 =	sadd.s32 @!p0 s3, s7;
	s7 =	simm.s32 @!p0 $0x108  }
0x21: {  	s3 =	sadd.s32 s3, s9;
	s6 =	sadd.s32 @!p0 $0x88, s6;
	s7 =	simm.s32 @p2 $0x1082  }
0x22: {  	[simem:s7], [sflag:s8] =	dma.local @!p0 [hbm:s6], $0xF7A  }
0x23: {  	s9 =	sor.u32 $0xD0000000, s2;
	s6 =	simm.s32 $0x108;
	_ =	swait.ge @!p0 [sflag:s8], $0x0  }
0x24: {  	s3 =	sadd.s32 $0x88, s3;
	s6 =	simm.s32 @!p1 $0x1082;
	[sflag:s4] =	ssyncset.s32 $0xFFFFF086  }
0x25: {  	[simem:s6], [sflag:s4] =	dma.local [hbm:s3], $0xF7A  }
0x26: {  	[smem:$0x3F9E] =	sst s1;
	(tag) =	ssettag s2;
	_ =	strace s9  }
0x27: {  	s1 =	sld [smem:$0x3FAE]  }
0x28: {  	s2 =	sld [smem:$0x3FAF]  }
0x29: {  	s4 =	sld [smem:$0x3FB1]  }
0x2a: {  	p0 =	seq.s32 s5, $0x0;
	s5 =	sld [smem:$0x3FB2]  }
0x2b: {  	s6 =	sld [smem:$0x3FB3]  }
0x2c: {  	s7 =	sld [smem:$0x3FB4]  }
0x2d: {  	s3 =	simm.s32 $0x108;
	s8 =	sld [smem:$0x3FB5]  }
0x2e: {  	s3 =	simm.s32 @!p0 $0x1082;
	s9 =	sld [smem:$0x3FB6]  }
0x2f: {  	lr =	sadd.s32 s0, s3;
	s0 =	sld [smem:$0x3FAD]  }
0x30: {  	s3 =	sld [smem:$0x3FB0]  }
0x31: {  	[smem:$0x3FB9] =	sst s10  }
0x32: {  	s10 =	sld [smem:$0x3FB7];
	_ =	sdelay $0x3  }
0x33: {  	p0 =	seq.s32 s10, $0x1;
	s10 =	sld [smem:$0x3FB9];
	_ =	sdelay $0x3  }
0x34: {  	[smem:$0x3FB9] =	sst s10  }
0x35: {  	s10 =	sld [smem:$0x3FB8];
	_ =	sdelay $0x3  }
0x36: {  	p1 =	seq.s32 s10, $0x1;
	s10 =	sld [smem:$0x3FB9];
	_ =	sdelay $0x3  }
0x37: {  	[smem:$0x3FB9] =	sst s10  }
0x38: {  	s10 =	sld [smem:$0x3FBA]  }
0x39: {  	_ = 	snop;
	(pc) =	sbr.ind lr, $3  }
0x3a: {  	_ = 	snop  }
0x3b: {  	_ = 	snop  }
0x3c: {  	p2 =	seq.s32 s10, $0x1;
	s10 =	sld [smem:$0x3FB9]  }
0x3d: {  	_ =	shalt  }
0x3e: {  	_ =	shalt  }
0x3f: {  	_ =	shalt  }
0x40: {  	_ =	shalt  }
0x41: {  	_ =	shalt  }
0x42: {  	_ =	shalt  }
0x43: {  	_ =	shalt  }
0x44: {  	_ =	shalt  }
0x45: {  	_ =	shalt  }
0x46: {  	_ =	shalt  }
0x47: {  	_ =	shalt  }
0x48: {  	_ =	shalt  }
0x49: {  	_ =	shalt  }
0x4a: {  	_ =	shalt  }
0x4b: {  	_ =	shalt  }
0x4c: {  	_ =	shalt  }
0x4d: {  	_ =	shalt  }
0x4e: {  	_ =	shalt  }
0x4f: {  	_ =	shalt  }
0x50: {  	_ =	shalt  }
0x51: {  	_ =	shalt  }
0x52: {  	_ =	shalt  }
0x53: {  	_ =	shalt  }
0x54: {  	_ =	shalt  }
0x55: {  	_ =	shalt  }
0x56: {  	_ =	shalt  }
0x57: {  	_ =	shalt  }
0x58: {  	_ =	shalt  }
0x59: {  	_ =	shalt  }
0x5a: {  	_ =	shalt  }
0x5b: {  	_ =	shalt  }
0x5c: {  	_ =	shalt  }
0x5d: {  	_ =	shalt  }
0x5e: {  	_ =	shalt  }
0x5f: {  	_ =	shalt  }
0x60: {  	_ =	shalt  }
0x61: {  	_ =	shalt  }
0x62: {  	_ =	shalt  }
0x63: {  	_ =	shalt  }
0x64: {  	_ =	shalt  }
0x65: {  	_ =	shalt  }
0x66: {  	_ =	shalt  }
0x67: {  	_ =	shalt  }
0x68: {  	_ =	shalt  }
0x69: {  	_ =	shalt  }
0x6a: {  	_ =	shalt  }
0x6b: {  	_ =	shalt  }
0x6c: {  	_ =	shalt  }
0x6d: {  	_ =	shalt  }
0x6e: {  	_ =	shalt  }
0x6f: {  	_ =	shalt  }
0x70: {  	_ =	shalt  }
0x71: {  	_ =	shalt  }
0x72: {  	_ =	shalt  }
0x73: {  	_ =	shalt  }
0x74: {  	_ =	shalt  }
0x75: {  	_ =	shalt  }
0x76: {  	_ =	shalt  }
0x77: {  	_ =	shalt  }
0x78: {  	_ =	shalt  }
0x79: {  	_ =	shalt  }
0x7a: {  	_ =	shalt  }
0x7b: {  	_ =	shalt  }
0x7c: {  	_ =	shalt  }
0x7d: {  	_ =	shalt  }
0x7e: {  	_ =	shalt  }
0x7f: {  	_ =	shalt  }
0x80: {  	_ =	shalt  }
0x81: {  	_ =	shalt  }
0x82: {  	_ =	shalt  }
0x83: {  	_ =	shalt  }
0x84: {  	_ =	shalt  }
0x85: {  	_ =	shalt  }
0x86: {  	_ =	shalt  }
0x87: {  	_ =	shalt  }
.Lfunc_end0:
.L_simem_size_0:
called_computation_lowered:
.L_overlay_start_0:
0x88: {  	s2 =	sld [smem:$0x3FD9]  }
0x89: {  	s3 =	sld [smem:$0x3FFE];
	_ =	sdelay $0x1  }
0x8a: {  	s1 =	srdreg.scid  }
0x8b: {  	s0 =	sand.u32 $0x1, s1  }
0x8c: {  	s18 =	sshll.u32 s0, $0xA;
	s2 =	sadd.s32 s3, s2  }
0x8d: {  	s2 =	sadd.s32 s2, s18  }
0x8e: {  	[smem:$0x3FC5] =	sst s2  }
0x8f: {  	_ = 	snop  }
0x90: {  	s2 =	sld [smem:$0x3FC9]  }
0x91: {  	s19 =	sld [smem:$0x3FC8]  }
0x92: {  	s4 =	sld [smem:$0x3FC7]  }
0x93: {  	s5 =	sld [smem:$0x3FD0];
	(tm) =	ssettm $0x1  }
0x94: {  	s6 =	sld [smem:$0x3FFB];
	_ =	sdelay $0x3  }
0x95: {  	_ =	strace s6  }
0x96: {  	s6 =	sld [smem:$0x3FFC];
	_ =	sdelay $0x3  }
0x97: {  	_ =	strace s6  }
0x98: {  	s6 =	sld [smem:$0x3FFD];
	_ =	sdelay $0x3  }
0x99: {  	_ =	strace s6  }
0x9a: {  	_ =	strace $0x8FFFFFFF  }
0x9b: {  	s20 =	sld [smem:$0x3FDB];
	_ =	sdelay $0x1  }
0x9c: {  	s7 =	simm.s32 $_scs_section_size  }
0x9d: {  	s8 =	simm.s32 $_size__tile_overlayer_lowered;
	s9 =	simm.s32 $_tile_overlayer_lowered  }
0x9e: {  	s23 =	simm.s32 $0x1BFF;
	s22 =	sshll.u32 s9, $0x1;
	s6 =	sadd.s32 s7, s20  }
0x9f: {  	s10 =	simm.s32 $0x0;
	s21 =	sshll.u32 s8, $0x1;
	s8 =	sadd.s32 s22, s6  }
0xa0: {  	[timem:s10], [sflag:s23] =	dma.local [hbm:s8], s21  }
0xa1: {  	_ =	swait.ge [sflag:s23], s21  }
0xa2: {  	s7 =	ssub.s32 $0x0, s21;
	[sflag:s23] =	ssyncset.done $0x0  }
0xa3: {  	[sflag:s23] =	ssyncadd.s32 s7;
	_ =	sdelay $0x1  }
0xa4: {  	s24 =	simm.s32 $0x1B8B  }
0xa5: {  	_ =	swait.ge [sflag:s24], $0x1  }
0xa6: {  	[sflag:s24] =	ssyncset.done $0x0  }
0xa7: {  	s25 =	simm.s32 $0x1B8E;
	[sflag:s24] =	ssyncadd.s32 $0xFFFFFFFF  }
0xa8: {  	s26 =	simm.s32 $execute0_lowered;
	[smem:$0x3FD2] =	sst s25  }
0xa9: {  	s7 =	sshll.u32 s26, $0x1;
	_ =	strace $0x80000046;
	[dreg:$0x1] =	wrdreg $0xFFFFFFFF  }
0xaa: {  	s28 =	simm.s32 $_size_execute0_lowered;
	s6 =	sadd.s32 s6, s7;
	[dreg:$0x0] =	wrdreg $0x0  }
0xab: {  	s7 =	sshll.u32 s28, $0x1;
	[dreg:$0x2] =	wrdreg s6  }
0xac: {  	[dreg:$0x3] =	wrdreg s7  }
0xad: {  	[dreg:$0x4] =	wrdreg $0xC0  }
0xae: {  	_ =	task [dreg:s10], $0x5FFFF  }
0xaf: {  	[dreg:$0x1] =	wrdreg $0xFFFFFFFF  }
0xb0: {  	[dreg:$0x0] =	wrdreg $0x60  }
0xb1: {  	[dreg:$0x2] =	wrdreg s2  }
0xb2: {  	[dreg:$0x3] =	wrdreg s19  }
0xb3: {  	[dreg:$0x4] =	wrdreg s4  }
0xb4: {  	[dreg:$0x5] =	wrdreg s5  }
0xb5: {  	[dreg:$0x6] =	wrdreg $0x9  }
0xb6: {  	_ =	task.clear_ibuf [dreg:s10], $0x7FFFF;
	_ =	strace $0x90000046  }
0xb7: {  	s29 =	simm.s32 $0x9;
	_ =	strace $0x80000048  }
0xb8: {  	_ =	swait.ge [sflag:s29], $0x1  }
0xb9: {  	[sflag:s29] =	ssyncadd.s32 $0xFFFFFFFF  }
0xba: {  	_ =	strace $0x90000048  }
0xbb: {  	_ =	sfence  }
0xbc: {  	s30 =	sld [smem:$0x0];
	_ =	sdelay $0x2  }
0xbd: {  	s31 =	sshll.u32 s1, $0xD;
	s1 =	sshrl.u32 s1, $0x2  }
0xbe: {  	s3 =	sand.u32 $0x4000, s31;
	s1 =	sadd.s32 s1, s30  }
0xbf: {  	s0 =	sor.u32 s3, s0;
	s1 =	sshll.u32 s1, $0x11  }
0xc0: {  	s0 =	sor.u32 s1, s0  }
0xc1: {  	s0 =	sadd.s32 $0x8F2B, s0  }
0xc2: {  	[sflag:s0] =	ssyncadd.remote.s32 $0x1  }
0xc3: {  	_ =	sfence.sel $0xFFFF  }
0xc4: {  	[dreg:$0x0] =	wrdreg $0xFFFFFFFF;
	(pc) =	sbr.abs _section_cstart, $3  }
0xc5: {  	[dreg:$0x1] =	wrdreg $0xFFFFFFFF  }
0xc6: {  	_ =	task.clear_ibuf [dreg:s10], $0x2FFFF;
	_ =	strace $0x9FFFFFFF  }
0xc7: {  	(tm) =	ssettm $0x7FFFFFFF  }
tec
execute0_lowered:
.L_overlay_start_1:
0x0: {  	(tag) =	ssettag $0x1  }
0x1: {  	v0 =	vimm.s32 $0xB80  }
0x2: {  	vm14 =	vcmask $0x300;
	vm13 =	vcmask $0x704;
	vm12 =	vcmask $0xB08  }
0x3: {  	vm11 =	vcmask $0xF0C;
	vm10 =	vcmask $0x1310;
	vm9 =	vcmask $0x1714  }
0x4: {  	vm8 =	vcmask $0x1B18;
	vm7 =	vcmask $0x1F1C;
	vm6 =	vcmask $0x2320  }
0x5: {  	vm5 =	vcmask $0x2724;
	vm4 =	vcmask $0x2B28;
	vm3 =	vcmask $0x2F2C  }
0x6: {  	vm2 =	vcmask $0x3330;
	v1 =	vlaneseq.u32;
	vm1 =	vcmask $0x3734  }
0x7: {  	vm0 =	vcmask $0x3B38;
	v3 =	vimm.s32 $0x1B80;
	v4 =	vimm.s32 $0x2B80  }
0x8: {  	v5 =	vimm.s32 $0x3B80;
	v0 =	vsel vm14, $0x0, v0;
	v3 =	vsel vm14, $0x1000, v3  }
0x9: {  	v4 =	vsel vm14, $0x2000, v4;
	v5 =	vsel vm14, $0x3000, v5;
	v0 =	vsel vm13, $0x80, v0  }
0xa: {  	v3 =	vsel vm13, $0x1080, v3;
	v4 =	vsel vm13, $0x2080, v4;
	v5 =	vsel vm13, $0x3080, v5  }
0xb: {  	v0 =	vsel vm12, $0x100, v0;
	v3 =	vsel vm12, $0x1100, v3;
	v4 =	vsel vm12, $0x2100, v4  }
0xc: {  	v5 =	vsel vm12, $0x3100, v5;
	v0 =	vsel vm11, $0x180, v0;
	v3 =	vsel vm11, $0x1180, v3  }
0xd: {  	v4 =	vsel vm11, $0x2180, v4;
	v5 =	vsel vm11, $0x3180, v5;
	v0 =	vsel vm10, $0x200, v0  }
0xe: {  	v3 =	vsel vm10, $0x1200, v3;
	v4 =	vsel vm10, $0x2200, v4;
	v5 =	vsel vm10, $0x3200, v5  }
0xf: {  	v0 =	vsel vm9, $0x280, v0;
	v3 =	vsel vm9, $0x1280, v3;
	v4 =	vsel vm9, $0x2280, v4  }
0x10: {  	v5 =	vsel vm9, $0x3280, v5;
	v0 =	vsel vm8, $0x300, v0;
	v3 =	vsel vm8, $0x1300, v3  }
0x11: {  	v4 =	vsel vm8, $0x2300, v4;
	v5 =	vsel vm8, $0x3300, v5;
	v0 =	vsel vm7, $0x380, v0  }
0x12: {  	v3 =	vsel vm7, $0x1380, v3;
	v4 =	vsel vm7, $0x2380, v4;
	v5 =	vsel vm7, $0x3380, v5  }
0x13: {  	v0 =	vsel vm6, $0x800, v0;
	v3 =	vsel vm6, $0x1800, v3;
	v4 =	vsel vm6, $0x2800, v4  }
0x14: {  	v5 =	vsel vm6, $0x3800, v5;
	v0 =	vsel vm5, $0x880, v0;
	v3 =	vsel vm5, $0x1880, v3  }
0x15: {  	s0 =	rddreg [dreg:$0x0];
	v4 =	vsel vm5, $0x2880, v4;
	v5 =	vsel vm5, $0x3880, v5;
	v0 =	vsel vm4, $0x900, v0  }
0x16: {  	s1 =	rddreg [dreg:$0x1];
	v3 =	vsel vm4, $0x1900, v3;
	v4 =	vsel vm4, $0x2900, v4;
	v5 =	vsel vm4, $0x3900, v5  }
0x17: {  	s24 =	rddreg [dreg:$0x2];
	v0 =	vsel vm3, $0x980, v0;
	v3 =	vsel vm3, $0x1980, v3;
	v4 =	vsel vm3, $0x2980, v4  }
0x18: {  	s2 =	rddreg [dreg:$0x3];
	v5 =	vsel vm3, $0x3980, v5;
	v2 =	vsel vm2, $0xA00, v0;
	v0 =	vmul.u32 $0x80, v1  }
0x19: {  	s3 =	srdreg.scid;
	s4 =	stileid.u32;
	s6 =	simm.s32 $0x0;
	v3 =	vsel vm2, $0x1A00, v3;
	v4 =	vsel vm2, $0x2A00, v4;
	v7 =	vsel vm2, $0x3A00, v5  }
0x1a: {  	s7 =	simm.s32 $0x10000;
	s10 =	simm.s32 $0x9;
	s12 =	simm.s32 $0x400;
	v1 =	vsel vm1, $0xA80, v2;
	v3 =	vsel vm1, $0x1A80, v3;
	v6 =	vsel vm1, $0x2A80, v4  }
0x1b: {  	s13 =	simm.s32 $0x7A1400;
	s14 =	simm.s32 $0x100;
	s15 =	simm.s32 $0x2100;
	v7 =	vsel vm1, $0x3A80, v7;
	v1 =	vsel vm0, $0xB00, v1;
	v2 =	vor.u32 $0x800, v0  }
0x1c: {  	s16 =	simm.s32 $0x4100;
	s17 =	simm.s32 $0x6100;
	s18 =	simm.s32 $0x8100;
	v3 =	vsel vm0, $0x1B00, v3;
	v4 =	vor.u32 $0x1000, v0;
	v5 =	vsel vm0, $0x2B00, v6  }
0x1d: {  	s19 =	simm.s32 $0xA100;
	s20 =	simm.s32 $0xC100;
	s21 =	simm.s32 $0xE100;
	v6 =	vor.u32 $0x1800, v0;
	v7 =	vsel vm0, $0x3B00, v7;
	v8 =	vor.u32 $0x2000, v0  }
0x1e: {  	s22 =	simm.s32 $0x1;
	s23 =	simm.s32 $0x10100;
	s28 =	simm.s32 $0x5;
	v9 =	vor.u32 $0x2800, v0;
	v10 =	vor.u32 $0x3000, v0;
	v11 =	vor.u32 $0x3800, v0  }
0x1f: {  	s29 =	simm.s32 $0x6;
	s30 =	simm.s32 $0x7;
	s31 =	simm.s32 $0x8;
	v12 =	vor.u32 $0x4000, v0;
	v13 =	vor.u32 $0x4800, v0;
	v14 =	vor.u32 $0x5000, v0  }
0x20: {  	[dreg:$0x5] =	wrdreg s1;
	s3 =	sand.u32 $0x1, s3;
	s4 =	sshll.u32 s4, $0x9;
	v15 =	vor.u32 $0x5800, v0;
	v16 =	vor.u32 $0x6000, v0;
	v17 =	vor.u32 $0x6800, v0  }
0x21: {  	[smem:$0x7FF] =	sst s6;
	s5 =	sshll.u32 s3, $0x8;
	s3 =	ssub.s32 $0x2, s3;
	v18 =	vor.u32 $0x7000, v0;
	v19 =	vor.u32 $0x7800, v0;
	v20 =	vor.u32 $0x8000, v0  }
0x22: {  	s6 =	simm.s32 $0xA;
	s5 =	sor.u32 s5, s4;
	s25 =	sshrl.u32 s3, $0x1;
	v21 =	vor.u32 $0x8800, v0;
	v22 =	vor.u32 $0x9000, v0;
	v23 =	vor.u32 $0x9800, v0  }
0x23: {  	_ =	strace $0x80000047;
	s26 =	sshrl.u32 s5, $0x3;
	s9 =	ssub.s32 s3, s25;
	v24 =	vor.u32 $0xA000, v0;
	v25 =	vor.u32 $0xA800, v0;
	v26 =	vor.u32 $0xB000, v0  }
0x24: {  	s4 =	sadd.s32 s24, s5;
	s5 =	sadd.s32 s2, s5;
	s2 =	simm.s32 $0x800;
	v27 =	vor.u32 $0xB800, v0;
	v28 =	vor.u32 $0xC000, v0;
	v29 =	vor.u32 $0xC800, v0  }
0x25: {  	s24 =	simm.s32 $0x2;
	s25 =	simm.s32 $0x3;
	s3 =	sadd.s32 s0, s26;
	v30 =	vor.u32 $0xD000, v0;
	v31 =	vor.u32 $0xD800, v0;
	v32 =	vor.u32 $0xE000, v0  }
0x26: {  	s11 =	smax.u32 s9, $0x1;
	s26 =	simm.s32 $0x4;
	s0 =	simm.s32 $0x0;
	v33 =	vor.u32 $0xE800, v0;
	v34 =	vor.u32 $0xF000, v0;
	v35 =	vor.u32 $0xF800, v0  }
.LBB2_1:
0x27: {  	s1 =	simm.s32 $0x0  }
0x28: {  	[tilespmem:s1], [sflag:$0xA] =	stream.linear.gather [hbm4b:s3+s1], $0x100, $0x38;
	[tilespmem:$0x18100] =	vst v63  }
0x29: {  	_ =	swait.ge [sflag:s6], $0x100  }
0x2a: {  	[sflag:s6] =	ssyncset.done $0x0  }
0x2b: {  	s9 =	simm.s32 $0x14100;
	[sflag:s6] =	ssyncadd.s32 $0xFFFFFF00  }
0x2c: {  	[tilespmem:s9], [sflag:$0x9] =	stream.strided.gather [hbm4b:s4+s2], $0x4000, s7, s2, $0x38;
	[tilespmem:$0x18100] =	vst v63  }
0x2d: {  	_ =	swait.ge [sflag:s10], $0x4000  }
0x2e: {  	[sflag:s10] =	ssyncset.done $0x0  }
0x2f: {  	s1 =	simm.s32 $0xF;
	s2 =	simm.s32 $0x0;
	[sflag:s10] =	ssyncadd.s32 $0xFFFFC000  }
.LBB2_2:
0x30: {  	v36 =	vld [tilespmem:s2+$0x0];
	_ =	sdelay $0x4  }
0x31: {  	s9 =	rddreg [dreg:$0x5];
	v37 =	vand.u32 $0xFFFFFF80, v36  }
0x32: {  	v37 =	vadd.s32 s9, v37  }
0x33: {  	(v2sf) =	vpush v37, $0x0;
	_ =	sdelay $0x1  }
0x34: {  	(v2sf) =	vpush v37, $0x1;
	_ =	sdelay $0x1  }
0x35: {  	(v2sf) =	vpush v37, $0x2;
	_ =	sdelay $0x1  }
0x36: {  	(v2sf) =	vpush v37, $0x3;
	_ =	sdelay $0x1  }
0x37: {  	(v2sf) =	vpush v37, $0x4;
	_ =	sdelay $0x1  }
0x38: {  	(v2sf) =	vpush v37, $0x5;
	_ =	sdelay $0x1  }
0x39: {  	(v2sf) =	vpush v37, $0x6;
	_ =	sdelay $0x1  }
0x3a: {  	(v2sf) =	vpush v37, $0x7  }
0x3b: {  	s7 =	spop (v2sf)  }
0x3c: {  	[tilespmem:s14], [sflag:$0x1] =	stream.strided.gather [hbm4b:s7+s12], $0x2000, s13, s12, $0x38;
	[tilespmem:$0x18100] =	vst v63  }
0x3d: {  	s8 =	spop (v2sf)  }
0x3e: {  	[tilespmem:s15], [sflag:$0x2] =	stream.strided.gather [hbm4b:s8+s12], $0x2000, s13, s12, $0x38;
	[tilespmem:$0x18100] =	vst v63  }
0x3f: {  	s7 =	spop (v2sf)  }
0x40: {  	[tilespmem:s16], [sflag:$0x3] =	stream.strided.gather [hbm4b:s7+s12], $0x2000, s13, s12, $0x38;
	[tilespmem:$0x18100] =	vst v63  }
0x41: {  	s8 =	spop (v2sf)  }
0x42: {  	[tilespmem:s17], [sflag:$0x4] =	stream.strided.gather [hbm4b:s8+s12], $0x2000, s13, s12, $0x38;
	[tilespmem:$0x18100] =	vst v63  }
0x43: {  	s7 =	spop (v2sf)  }
0x44: {  	[tilespmem:s18], [sflag:$0x5] =	stream.strided.gather [hbm4b:s7+s12], $0x2000, s13, s12, $0x38;
	[tilespmem:$0x18100] =	vst v63  }
0x45: {  	s8 =	spop (v2sf)  }
0x46: {  	v36 =	vand.u32 $0x7F, v36;
	[tilespmem:s19], [sflag:$0x6] =	stream.strided.gather [hbm4b:s8+s12], $0x2000, s13, s12, $0x38;
	[tilespmem:$0x18100] =	vst v63  }
0x47: {  	v38 =	vbroadcast v36, $0x0;
	s7 =	spop (v2sf)  }
0x48: {  	[tilespmem:s20], [sflag:$0x7] =	stream.strided.gather [hbm4b:s7+s12], $0x2000, s13, s12, $0x38;
	[tilespmem:$0x18100] =	vst v63  }
0x49: {  	v39 =	vor.u32 v0, v38;
	s8 =	sadd.s32 $0xFFFFFFF1, s1;
	s7 =	spop (v2sf)  }
0x4a: {  	v40 =	vmov s8;
	[tilespmem:s21], [sflag:$0x8] =	stream.strided.gather [hbm4b:s7+s12], $0x2000, s13, s12, $0x38;
	[tilespmem:$0x18100] =	vst v63  }
0x4b: {  	v41 =	vshll.u32 v40, $0x3;
	_ =	swait.ge [sflag:s22], $0x2000  }
0x4c: {  	v40 =	vand.u32 $0x70, v40;
	v41 =	vand.u32 $0x400, v41;
	[sflag:s22] =	ssyncset.done $0x0  }
0x4d: {  	v40 =	vor.u32 v40, v41;
	[sflag:s22] =	ssyncadd.s32 $0xFFFFE000  }
0x4e: {  	v41 =	vor.u32 v1, v40;
	v39 =	vld.idx.msk [tilespmem:v39+s14+$0x0], $0xffff  }
0x4f: {  	v42 =	vor.u32 v2, v38;
	_ =	sdelay $0x3  }
0x50: {  	[tilespmem:v41+s23+$0x0] =	vst.idx.msk $0xffff, v39  }
0x51: {  	v45 =	vor.u32 v3, v40;
	v39 =	vld.idx.msk [tilespmem:v42+s14+$0x0], $0xffff  }
0x52: {  	v46 =	vor.u32 v4, v38  }
0x53: {  	(v2sf) =	vpush v37, $0x8;
	_ =	sdelay $0x2  }
0x54: {  	[tilespmem:v45+s23+$0x0] =	vst.idx.msk $0xffff, v39  }
0x55: {  	v47 =	vor.u32 v5, v40;
	v39 =	vld.idx.msk [tilespmem:v46+s14+$0x0], $0xffff  }
0x56: {  	v38 =	vor.u32 v6, v38;
	_ =	sdelay $0x3  }
0x57: {  	[tilespmem:v47+s23+$0x0] =	vst.idx.msk $0xffff, v39  }
0x58: {  	v48 =	vor.u32 v7, v40;
	v38 =	vld.idx.msk [tilespmem:v38+s14+$0x0], $0xffff;
	_ =	sdelay $0x2  }
0x59: {  	v49 =	vbroadcast v36, $0x1;
	_ =	sdelay $0x1  }
0x5a: {  	v50 =	vor.u32 v8, v49;
	s8 =	sadd.s32 $0xFFFFFFF2, s1;
	s9 =	spop (v2sf);
	[tilespmem:v48+s23+$0x0] =	vst.idx.msk $0xffff, v38  }
0x5b: {  	v51 =	vmov s8;
	[tilespmem:s14], [sflag:$0x1] =	stream.strided.gather [hbm4b:s9+s12], $0x2000, s13, s12, $0x38;
	[tilespmem:$0x18100] =	vst v63  }
0x5c: {  	v52 =	vshll.u32 v51, $0x3;
	_ =	swait.ge [sflag:s24], $0x2000  }
0x5d: {  	v41 =	vand.u32 $0x400, v52;
	v39 =	vand.u32 $0x71, v51;
	[sflag:s24] =	ssyncset.done $0x0  }
0x5e: {  	v39 =	vor.u32 v39, v41;
	[sflag:s24] =	ssyncadd.s32 $0xFFFFE000  }
0x5f: {  	v41 =	vor.u32 v1, v39;
	v38 =	vld.idx.msk [tilespmem:v50+s14+$0x0], $0xffff  }
0x60: {  	v53 =	vor.u32 v9, v49;
	_ =	sdelay $0x3  }
0x61: {  	[tilespmem:v41+s23+$0x0] =	vst.idx.msk $0xffff, v38  }
0x62: {  	v54 =	vor.u32 v3, v39;
	v38 =	vld.idx.msk [tilespmem:v53+s14+$0x0], $0xffff  }
0x63: {  	v55 =	vor.u32 v10, v49  }
0x64: {  	(v2sf) =	vpush v37, $0x9;
	_ =	sdelay $0x2  }
0x65: {  	[tilespmem:v54+s23+$0x0] =	vst.idx.msk $0xffff, v38  }
0x66: {  	v56 =	vor.u32 v5, v39;
	v38 =	vld.idx.msk [tilespmem:v55+s14+$0x0], $0xffff  }
0x67: {  	v40 =	vor.u32 v11, v49;
	_ =	sdelay $0x3  }
0x68: {  	[tilespmem:v56+s23+$0x0] =	vst.idx.msk $0xffff, v38  }
0x69: {  	v39 =	vor.u32 v7, v39;
	v38 =	vld.idx.msk [tilespmem:v40+s14+$0x0], $0xffff;
	_ =	sdelay $0x2  }
0x6a: {  	v57 =	vbroadcast v36, $0x2;
	_ =	sdelay $0x1  }
0x6b: {  	v58 =	vor.u32 v12, v57;
	s8 =	sadd.s32 $0xFFFFFFF3, s1;
	s9 =	spop (v2sf);
	[tilespmem:v39+s23+$0x0] =	vst.idx.msk $0xffff, v38  }
0x6c: {  	v59 =	vmov s8;
	[tilespmem:s15], [sflag:$0x2] =	stream.strided.gather [hbm4b:s9+s12], $0x2000, s13, s12, $0x38;
	[tilespmem:$0x18100] =	vst v63  }
0x6d: {  	v60 =	vshll.u32 v59, $0x3;
	_ =	swait.ge [sflag:s25], $0x2000  }
0x6e: {  	v41 =	vand.u32 $0x400, v60;
	v39 =	vand.u32 $0x72, v59;
	[sflag:s25] =	ssyncset.done $0x0  }
0x6f: {  	v39 =	vor.u32 v39, v41;
	[sflag:s25] =	ssyncadd.s32 $0xFFFFE000  }
0x70: {  	v41 =	vor.u32 v1, v39;
	v38 =	vld.idx.msk [tilespmem:v58+s14+$0x0], $0xffff  }
0x71: {  	v61 =	vor.u32 v13, v57;
	_ =	sdelay $0x3  }
0x72: {  	[tilespmem:v41+s23+$0x0] =	vst.idx.msk $0xffff, v38  }
0x73: {  	v62 =	vor.u32 v3, v39;
	v38 =	vld.idx.msk [tilespmem:v61+s14+$0x0], $0xffff  }
0x74: {  	v63 =	vor.u32 v14, v57  }
0x75: {  	(v2sf) =	vpush v37, $0xA;
	_ =	sdelay $0x2  }
0x76: {  	[tilespmem:v62+s23+$0x0] =	vst.idx.msk $0xffff, v38  }
0x77: {  	v44 =	vor.u32 v5, v39;
	v38 =	vld.idx.msk [tilespmem:v63+s14+$0x0], $0xffff  }
0x78: {  	v40 =	vor.u32 v15, v57;
	_ =	sdelay $0x3  }
0x79: {  	[tilespmem:v44+s23+$0x0] =	vst.idx.msk $0xffff, v38  }
0x7a: {  	v39 =	vor.u32 v7, v39;
	v38 =	vld.idx.msk [tilespmem:v40+s14+$0x0], $0xffff;
	_ =	sdelay $0x2  }
0x7b: {  	v45 =	vbroadcast v36, $0x3;
	_ =	sdelay $0x1  }
0x7c: {  	s8 =	sadd.s32 $0xFFFFFFF4, s1;
	v46 =	vor.u32 v16, v45;
	s9 =	spop (v2sf);
	[tilespmem:v39+s23+$0x0] =	vst.idx.msk $0xffff, v38  }
0x7d: {  	v47 =	vmov s8;
	[tilespmem:s16], [sflag:$0x3] =	stream.strided.gather [hbm4b:s9+s12], $0x2000, s13, s12, $0x38;
	[tilespmem:$0x18100] =	vst v63  }
0x7e: {  	v48 =	vshll.u32 v47, $0x3;
	_ =	swait.ge [sflag:s26], $0x2000  }
0x7f: {  	v41 =	vand.u32 $0x400, v48;
	v39 =	vand.u32 $0x73, v47;
	[sflag:s26] =	ssyncset.done $0x0  }
0x80: {  	v39 =	vor.u32 v39, v41;
	[sflag:s26] =	ssyncadd.s32 $0xFFFFE000  }
0x81: {  	v41 =	vor.u32 v1, v39;
	v38 =	vld.idx.msk [tilespmem:v46+s14+$0x0], $0xffff  }
0x82: {  	v49 =	vor.u32 v17, v45;
	_ =	sdelay $0x3  }
0x83: {  	[tilespmem:v41+s23+$0x0] =	vst.idx.msk $0xffff, v38  }
0x84: {  	v50 =	vor.u32 v3, v39;
	v38 =	vld.idx.msk [tilespmem:v49+s14+$0x0], $0xffff  }
0x85: {  	v51 =	vor.u32 v18, v45  }
0x86: {  	(v2sf) =	vpush v37, $0xB;
	_ =	sdelay $0x2  }
0x87: {  	[tilespmem:v50+s23+$0x0] =	vst.idx.msk $0xffff, v38  }
0x88: {  	v52 =	vor.u32 v5, v39;
	v38 =	vld.idx.msk [tilespmem:v51+s14+$0x0], $0xffff  }
0x89: {  	v40 =	vor.u32 v19, v45;
	_ =	sdelay $0x3  }
0x8a: {  	[tilespmem:v52+s23+$0x0] =	vst.idx.msk $0xffff, v38  }
0x8b: {  	v39 =	vor.u32 v7, v39;
	v38 =	vld.idx.msk [tilespmem:v40+s14+$0x0], $0xffff;
	_ =	sdelay $0x2  }
0x8c: {  	v53 =	vbroadcast v36, $0x4;
	_ =	sdelay $0x1  }
0x8d: {  	s8 =	sadd.s32 $0xFFFFFFF5, s1;
	v54 =	vor.u32 v20, v53;
	s9 =	spop (v2sf);
	[tilespmem:v39+s23+$0x0] =	vst.idx.msk $0xffff, v38  }
0x8e: {  	v55 =	vmov s8;
	[tilespmem:s17], [sflag:$0x4] =	stream.strided.gather [hbm4b:s9+s12], $0x2000, s13, s12, $0x38;
	[tilespmem:$0x18100] =	vst v63  }
0x8f: {  	v56 =	vshll.u32 v55, $0x3;
	_ =	swait.ge [sflag:s28], $0x2000  }
0x90: {  	v41 =	vand.u32 $0x400, v56;
	v39 =	vand.u32 $0x74, v55;
	[sflag:s28] =	ssyncset.done $0x0  }
0x91: {  	v39 =	vor.u32 v39, v41;
	[sflag:s28] =	ssyncadd.s32 $0xFFFFE000  }
0x92: {  	v41 =	vor.u32 v1, v39;
	v38 =	vld.idx.msk [tilespmem:v54+s14+$0x0], $0xffff  }
0x93: {  	v57 =	vor.u32 v21, v53;
	_ =	sdelay $0x3  }
0x94: {  	[tilespmem:v41+s23+$0x0] =	vst.idx.msk $0xffff, v38  }
0x95: {  	v58 =	vor.u32 v3, v39;
	v38 =	vld.idx.msk [tilespmem:v57+s14+$0x0], $0xffff  }
0x96: {  	v59 =	vor.u32 v22, v53  }
0x97: {  	(v2sf) =	vpush v37, $0xC;
	_ =	sdelay $0x2  }
0x98: {  	[tilespmem:v58+s23+$0x0] =	vst.idx.msk $0xffff, v38  }
0x99: {  	v60 =	vor.u32 v5, v39;
	v38 =	vld.idx.msk [tilespmem:v59+s14+$0x0], $0xffff  }
0x9a: {  	v40 =	vor.u32 v23, v53;
	_ =	sdelay $0x3  }
0x9b: {  	[tilespmem:v60+s23+$0x0] =	vst.idx.msk $0xffff, v38  }
0x9c: {  	v39 =	vor.u32 v7, v39;
	v38 =	vld.idx.msk [tilespmem:v40+s14+$0x0], $0xffff;
	_ =	sdelay $0x2  }
0x9d: {  	v61 =	vbroadcast v36, $0x5;
	_ =	sdelay $0x1  }
0x9e: {  	s8 =	sadd.s32 $0xFFFFFFF6, s1;
	v62 =	vor.u32 v24, v61;
	s9 =	spop (v2sf);
	[tilespmem:v39+s23+$0x0] =	vst.idx.msk $0xffff, v38  }
0x9f: {  	v63 =	vmov s8;
	[tilespmem:s18], [sflag:$0x5] =	stream.strided.gather [hbm4b:s9+s12], $0x2000, s13, s12, $0x38;
	[tilespmem:$0x18100] =	vst v63  }
0xa0: {  	v44 =	vshll.u32 v63, $0x3;
	_ =	swait.ge [sflag:s29], $0x2000  }
0xa1: {  	v41 =	vand.u32 $0x400, v44;
	v39 =	vand.u32 $0x75, v63;
	[sflag:s29] =	ssyncset.done $0x0  }
0xa2: {  	v39 =	vor.u32 v39, v41;
	[sflag:s29] =	ssyncadd.s32 $0xFFFFE000  }
0xa3: {  	v41 =	vor.u32 v1, v39;
	v38 =	vld.idx.msk [tilespmem:v62+s14+$0x0], $0xffff  }
0xa4: {  	v45 =	vor.u32 v25, v61;
	_ =	sdelay $0x3  }
0xa5: {  	[tilespmem:v41+s23+$0x0] =	vst.idx.msk $0xffff, v38  }
0xa6: {  	v46 =	vor.u32 v3, v39;
	v38 =	vld.idx.msk [tilespmem:v45+s14+$0x0], $0xffff  }
0xa7: {  	v47 =	vor.u32 v26, v61  }
0xa8: {  	(v2sf) =	vpush v37, $0xD;
	_ =	sdelay $0x2  }
0xa9: {  	[tilespmem:v46+s23+$0x0] =	vst.idx.msk $0xffff, v38  }
0xaa: {  	v48 =	vor.u32 v5, v39;
	v38 =	vld.idx.msk [tilespmem:v47+s14+$0x0], $0xffff  }
0xab: {  	v40 =	vor.u32 v27, v61;
	_ =	sdelay $0x3  }
0xac: {  	[tilespmem:v48+s23+$0x0] =	vst.idx.msk $0xffff, v38  }
0xad: {  	v39 =	vor.u32 v7, v39;
	v38 =	vld.idx.msk [tilespmem:v40+s14+$0x0], $0xffff;
	_ =	sdelay $0x2  }
0xae: {  	v49 =	vbroadcast v36, $0x6;
	_ =	sdelay $0x1  }
0xaf: {  	s8 =	sadd.s32 $0xFFFFFFF7, s1;
	v50 =	vor.u32 v28, v49;
	s9 =	spop (v2sf);
	[tilespmem:v39+s23+$0x0] =	vst.idx.msk $0xffff, v38  }
0xb0: {  	v51 =	vmov s8;
	[tilespmem:s19], [sflag:$0x6] =	stream.strided.gather [hbm4b:s9+s12], $0x2000, s13, s12, $0x38;
	[tilespmem:$0x18100] =	vst v63  }
0xb1: {  	v52 =	vshll.u32 v51, $0x3;
	_ =	swait.ge [sflag:s30], $0x2000  }
0xb2: {  	v41 =	vand.u32 $0x400, v52;
	v39 =	vand.u32 $0x76, v51;
	[sflag:s30] =	ssyncset.done $0x0  }
0xb3: {  	v39 =	vor.u32 v39, v41;
	[sflag:s30] =	ssyncadd.s32 $0xFFFFE000  }
0xb4: {  	v41 =	vor.u32 v1, v39;
	v38 =	vld.idx.msk [tilespmem:v50+s14+$0x0], $0xffff  }
0xb5: {  	v53 =	vor.u32 v29, v49;
	_ =	sdelay $0x3  }
0xb6: {  	[tilespmem:v41+s23+$0x0] =	vst.idx.msk $0xffff, v38  }
0xb7: {  	v54 =	vor.u32 v3, v39;
	v38 =	vld.idx.msk [tilespmem:v53+s14+$0x0], $0xffff  }
0xb8: {  	v55 =	vor.u32 v30, v49  }
0xb9: {  	(v2sf) =	vpush v37, $0xE;
	_ =	sdelay $0x2  }
0xba: {  	[tilespmem:v54+s23+$0x0] =	vst.idx.msk $0xffff, v38  }
0xbb: {  	v56 =	vor.u32 v5, v39;
	v38 =	vld.idx.msk [tilespmem:v55+s14+$0x0], $0xffff  }
0xbc: {  	v40 =	vor.u32 v31, v49;
	_ =	sdelay $0x3  }
0xbd: {  	[tilespmem:v56+s23+$0x0] =	vst.idx.msk $0xffff, v38  }
0xbe: {  	v39 =	vor.u32 v7, v39;
	v38 =	vld.idx.msk [tilespmem:v40+s14+$0x0], $0xffff;
	_ =	sdelay $0x2  }
0xbf: {  	v57 =	vbroadcast v36, $0x7;
	_ =	sdelay $0x1  }
0xc0: {  	s8 =	sadd.s32 $0xFFFFFFF8, s1;
	v58 =	vor.u32 v32, v57;
	s9 =	spop (v2sf);
	[tilespmem:v39+s23+$0x0] =	vst.idx.msk $0xffff, v38  }
0xc1: {  	v59 =	vmov s8;
	[tilespmem:s20], [sflag:$0x7] =	stream.strided.gather [hbm4b:s9+s12], $0x2000, s13, s12, $0x38;
	[tilespmem:$0x18100] =	vst v63  }
0xc2: {  	v60 =	vshll.u32 v59, $0x3;
	_ =	swait.ge [sflag:s31], $0x2000  }
0xc3: {  	v41 =	vand.u32 $0x400, v60;
	v39 =	vand.u32 $0x77, v59;
	[sflag:s31] =	ssyncset.done $0x0  }
0xc4: {  	v39 =	vor.u32 v39, v41;
	[sflag:s31] =	ssyncadd.s32 $0xFFFFE000  }
0xc5: {  	v41 =	vor.u32 v1, v39;
	v38 =	vld.idx.msk [tilespmem:v58+s14+$0x0], $0xffff  }
0xc6: {  	v61 =	vor.u32 v33, v57;
	_ =	sdelay $0x3  }
0xc7: {  	[tilespmem:v41+s23+$0x0] =	vst.idx.msk $0xffff, v38  }
0xc8: {  	v62 =	vor.u32 v3, v39;
	v38 =	vld.idx.msk [tilespmem:v61+s14+$0x0], $0xffff  }
0xc9: {  	v63 =	vor.u32 v34, v57  }
0xca: {  	(v2sf) =	vpush v37, $0xF;
	_ =	sdelay $0x2  }
0xcb: {  	[tilespmem:v62+s23+$0x0] =	vst.idx.msk $0xffff, v38  }
0xcc: {  	v45 =	vor.u32 v5, v39;
	v44 =	vld.idx.msk [tilespmem:v63+s14+$0x0], $0xffff  }
0xcd: {  	v40 =	vor.u32 v35, v57;
	_ =	sdelay $0x3  }
0xce: {  	[tilespmem:v45+s23+$0x0] =	vst.idx.msk $0xffff, v44  }
0xcf: {  	v46 =	vor.u32 v7, v39;
	v37 =	vld.idx.msk [tilespmem:v40+s14+$0x0], $0xffff;
	_ =	sdelay $0x2  }
0xd0: {  	v47 =	vbroadcast v36, $0x8;
	_ =	sdelay $0x1  }
0xd1: {  	s8 =	sadd.s32 $0xFFFFFFF9, s1;
	v48 =	vor.u32 v0, v47;
	s9 =	spop (v2sf);
	[tilespmem:v46+s23+$0x0] =	vst.idx.msk $0xffff, v37  }
0xd2: {  	v49 =	vmov s8;
	[tilespmem:s21], [sflag:$0x8] =	stream.strided.gather [hbm4b:s9+s12], $0x2000, s13, s12, $0x38;
	[tilespmem:$0x18100] =	vst v63  }
0xd3: {  	v50 =	vshll.u32 v49, $0x3;
	_ =	swait.ge [sflag:s22], $0x2000  }
0xd4: {  	v38 =	vand.u32 $0x78, v49;
	v40 =	vand.u32 $0x400, v50;
	[sflag:s22] =	ssyncset.done $0x0  }
0xd5: {  	v38 =	vor.u32 v38, v40;
	[sflag:s22] =	ssyncadd.s32 $0xFFFFE000  }
0xd6: {  	v40 =	vor.u32 v1, v38;
	v37 =	vld.idx.msk [tilespmem:v48+s14+$0x0], $0xffff  }
0xd7: {  	v51 =	vor.u32 v2, v47;
	_ =	sdelay $0x3  }
0xd8: {  	[tilespmem:v40+s23+$0x0] =	vst.idx.msk $0xffff, v37  }
0xd9: {  	v52 =	vor.u32 v3, v38;
	v37 =	vld.idx.msk [tilespmem:v51+s14+$0x0], $0xffff  }
0xda: {  	v53 =	vor.u32 v4, v47;
	_ =	sdelay $0x3  }
0xdb: {  	[tilespmem:v52+s23+$0x0] =	vst.idx.msk $0xffff, v37  }
0xdc: {  	v54 =	vor.u32 v5, v38;
	v37 =	vld.idx.msk [tilespmem:v53+s14+$0x0], $0xffff  }
0xdd: {  	v39 =	vor.u32 v6, v47;
	_ =	sdelay $0x3  }
0xde: {  	[tilespmem:v54+s23+$0x0] =	vst.idx.msk $0xffff, v37  }
0xdf: {  	v38 =	vor.u32 v7, v38;
	v37 =	vld.idx.msk [tilespmem:v39+s14+$0x0], $0xffff;
	_ =	sdelay $0x1  }
0xe0: {  	v55 =	vbroadcast v36, $0x9;
	_ =	sdelay $0x1  }
0xe1: {  	s8 =	sadd.s32 $0xFFFFFFFA, s1;
	v56 =	vor.u32 v8, v55  }
0xe2: {  	v57 =	vmov s8;
	[tilespmem:v38+s23+$0x0] =	vst.idx.msk $0xffff, v37  }
0xe3: {  	v58 =	vshll.u32 v57, $0x3;
	_ =	swait.ge [sflag:s24], $0x2000  }
0xe4: {  	v37 =	vand.u32 $0x79, v57;
	v38 =	vand.u32 $0x400, v58;
	[sflag:s24] =	ssyncset.done $0x0  }
0xe5: {  	v37 =	vor.u32 v37, v38;
	[sflag:s24] =	ssyncadd.s32 $0xFFFFE000  }
0xe6: {  	v60 =	vor.u32 v1, v37;
	v59 =	vld.idx.msk [tilespmem:v56+s14+$0x0], $0xffff  }
0xe7: {  	v61 =	vor.u32 v9, v55;
	_ =	sdelay $0x3  }
0xe8: {  	[tilespmem:v60+s23+$0x0] =	vst.idx.msk $0xffff, v59  }
0xe9: {  	v62 =	vor.u32 v3, v37;
	v38 =	vld.idx.msk [tilespmem:v61+s14+$0x0], $0xffff  }
0xea: {  	v63 =	vor.u32 v10, v55;
	_ =	sdelay $0x3  }
0xeb: {  	[tilespmem:v62+s23+$0x0] =	vst.idx.msk $0xffff, v38  }
0xec: {  	v44 =	vor.u32 v5, v37;
	v38 =	vld.idx.msk [tilespmem:v63+s14+$0x0], $0xffff  }
0xed: {  	v39 =	vor.u32 v11, v55;
	_ =	sdelay $0x3  }
0xee: {  	[tilespmem:v44+s23+$0x0] =	vst.idx.msk $0xffff, v38  }
0xef: {  	v37 =	vor.u32 v7, v37;
	v38 =	vld.idx.msk [tilespmem:v39+s14+$0x0], $0xffff;
	_ =	sdelay $0x1  }
0xf0: {  	v45 =	vbroadcast v36, $0xA;
	_ =	sdelay $0x1  }
0xf1: {  	v46 =	vor.u32 v12, v45;
	s9 =	sadd.s32 $0xFFFFFFFB, s1  }
0xf2: {  	v47 =	vmov s9;
	[tilespmem:v37+s23+$0x0] =	vst.idx.msk $0xffff, v38  }
0xf3: {  	v48 =	vshll.u32 v47, $0x3;
	_ =	swait.ge [sflag:s25], $0x2000  }
0xf4: {  	v37 =	vand.u32 $0x7A, v47;
	v38 =	vand.u32 $0x400, v48;
	[sflag:s25] =	ssyncset.done $0x0  }
0xf5: {  	v37 =	vor.u32 v37, v38;
	[sflag:s25] =	ssyncadd.s32 $0xFFFFE000  }
0xf6: {  	v50 =	vor.u32 v1, v37;
	v49 =	vld.idx.msk [tilespmem:v46+s14+$0x0], $0xffff  }
0xf7: {  	v51 =	vor.u32 v13, v45;
	_ =	sdelay $0x3  }
0xf8: {  	[tilespmem:v50+s23+$0x0] =	vst.idx.msk $0xffff, v49  }
0xf9: {  	v52 =	vor.u32 v3, v37;
	v38 =	vld.idx.msk [tilespmem:v51+s14+$0x0], $0xffff  }
0xfa: {  	v53 =	vor.u32 v14, v45;
	_ =	sdelay $0x3  }
0xfb: {  	[tilespmem:v52+s23+$0x0] =	vst.idx.msk $0xffff, v38  }
0xfc: {  	v54 =	vor.u32 v5, v37;
	v38 =	vld.idx.msk [tilespmem:v53+s14+$0x0], $0xffff  }
0xfd: {  	v39 =	vor.u32 v15, v45;
	_ =	sdelay $0x3  }
0xfe: {  	[tilespmem:v54+s23+$0x0] =	vst.idx.msk $0xffff, v38  }
0xff: {  	v37 =	vor.u32 v7, v37;
	v38 =	vld.idx.msk [tilespmem:v39+s14+$0x0], $0xffff;
	_ =	sdelay $0x1  }
0x100: {  	v55 =	vbroadcast v36, $0xB;
	_ =	sdelay $0x1  }
0x101: {  	s8 =	sadd.s32 $0xFFFFFFFC, s1;
	v56 =	vor.u32 v16, v55  }
0x102: {  	v57 =	vmov s8;
	[tilespmem:v37+s23+$0x0] =	vst.idx.msk $0xffff, v38  }
0x103: {  	v58 =	vshll.u32 v57, $0x3;
	_ =	swait.ge [sflag:s26], $0x2000  }
0x104: {  	v37 =	vand.u32 $0x7B, v57;
	v38 =	vand.u32 $0x400, v58;
	[sflag:s26] =	ssyncset.done $0x0  }
0x105: {  	v37 =	vor.u32 v37, v38;
	[sflag:s26] =	ssyncadd.s32 $0xFFFFE000  }
0x106: {  	v60 =	vor.u32 v1, v37;
	v59 =	vld.idx.msk [tilespmem:v56+s14+$0x0], $0xffff  }
0x107: {  	v61 =	vor.u32 v17, v55;
	_ =	sdelay $0x3  }
0x108: {  	[tilespmem:v60+s23+$0x0] =	vst.idx.msk $0xffff, v59  }
0x109: {  	v62 =	vor.u32 v3, v37;
	v38 =	vld.idx.msk [tilespmem:v61+s14+$0x0], $0xffff  }
0x10a: {  	v63 =	vor.u32 v18, v55;
	_ =	sdelay $0x3  }
0x10b: {  	[tilespmem:v62+s23+$0x0] =	vst.idx.msk $0xffff, v38  }
0x10c: {  	v44 =	vor.u32 v5, v37;
	v38 =	vld.idx.msk [tilespmem:v63+s14+$0x0], $0xffff  }
0x10d: {  	v39 =	vor.u32 v19, v55;
	_ =	sdelay $0x3  }
0x10e: {  	[tilespmem:v44+s23+$0x0] =	vst.idx.msk $0xffff, v38  }
0x10f: {  	v37 =	vor.u32 v7, v37;
	v38 =	vld.idx.msk [tilespmem:v39+s14+$0x0], $0xffff;
	_ =	sdelay $0x1  }
0x110: {  	v45 =	vbroadcast v36, $0xC;
	_ =	sdelay $0x1  }
0x111: {  	s9 =	sadd.s32 $0xFFFFFFFD, s1;
	v46 =	vor.u32 v20, v45  }
0x112: {  	v47 =	vmov s9;
	[tilespmem:v37+s23+$0x0] =	vst.idx.msk $0xffff, v38  }
0x113: {  	v48 =	vshll.u32 v47, $0x3;
	_ =	swait.ge [sflag:s28], $0x2000  }
0x114: {  	v37 =	vand.u32 $0x7C, v47;
	v38 =	vand.u32 $0x400, v48;
	[sflag:s28] =	ssyncset.done $0x0  }
0x115: {  	v37 =	vor.u32 v37, v38;
	[sflag:s28] =	ssyncadd.s32 $0xFFFFE000  }
0x116: {  	v50 =	vor.u32 v1, v37;
	v49 =	vld.idx.msk [tilespmem:v46+s14+$0x0], $0xffff  }
0x117: {  	v51 =	vor.u32 v21, v45;
	_ =	sdelay $0x3  }
0x118: {  	[tilespmem:v50+s23+$0x0] =	vst.idx.msk $0xffff, v49  }
0x119: {  	v52 =	vor.u32 v3, v37;
	v38 =	vld.idx.msk [tilespmem:v51+s14+$0x0], $0xffff  }
0x11a: {  	v53 =	vor.u32 v22, v45;
	_ =	sdelay $0x3  }
0x11b: {  	[tilespmem:v52+s23+$0x0] =	vst.idx.msk $0xffff, v38  }
0x11c: {  	v54 =	vor.u32 v5, v37;
	v38 =	vld.idx.msk [tilespmem:v53+s14+$0x0], $0xffff  }
0x11d: {  	v39 =	vor.u32 v23, v45;
	_ =	sdelay $0x3  }
0x11e: {  	[tilespmem:v54+s23+$0x0] =	vst.idx.msk $0xffff, v38  }
0x11f: {  	v37 =	vor.u32 v7, v37;
	v38 =	vld.idx.msk [tilespmem:v39+s14+$0x0], $0xffff;
	_ =	sdelay $0x1  }
0x120: {  	v55 =	vbroadcast v36, $0xD;
	_ =	sdelay $0x1  }
0x121: {  	s8 =	sadd.s32 $0xFFFFFFFE, s1;
	v56 =	vor.u32 v24, v55  }
0x122: {  	v57 =	vmov s8;
	[tilespmem:v37+s23+$0x0] =	vst.idx.msk $0xffff, v38  }
0x123: {  	v58 =	vshll.u32 v57, $0x3;
	_ =	swait.ge [sflag:s29], $0x2000  }
0x124: {  	v37 =	vand.u32 $0x7D, v57;
	v38 =	vand.u32 $0x400, v58;
	[sflag:s29] =	ssyncset.done $0x0  }
0x125: {  	v37 =	vor.u32 v37, v38;
	[sflag:s29] =	ssyncadd.s32 $0xFFFFE000  }
0x126: {  	v60 =	vor.u32 v1, v37;
	v59 =	vld.idx.msk [tilespmem:v56+s14+$0x0], $0xffff  }
0x127: {  	v61 =	vor.u32 v25, v55;
	_ =	sdelay $0x3  }
0x128: {  	[tilespmem:v60+s23+$0x0] =	vst.idx.msk $0xffff, v59  }
0x129: {  	v62 =	vor.u32 v3, v37;
	v38 =	vld.idx.msk [tilespmem:v61+s14+$0x0], $0xffff  }
0x12a: {  	v63 =	vor.u32 v26, v55;
	_ =	sdelay $0x3  }
0x12b: {  	[tilespmem:v62+s23+$0x0] =	vst.idx.msk $0xffff, v38  }
0x12c: {  	v44 =	vor.u32 v5, v37;
	v38 =	vld.idx.msk [tilespmem:v63+s14+$0x0], $0xffff  }
0x12d: {  	v39 =	vor.u32 v27, v55;
	_ =	sdelay $0x3  }
0x12e: {  	[tilespmem:v44+s23+$0x0] =	vst.idx.msk $0xffff, v38  }
0x12f: {  	v37 =	vor.u32 v7, v37;
	v38 =	vld.idx.msk [tilespmem:v39+s14+$0x0], $0xffff;
	_ =	sdelay $0x1  }
0x130: {  	v45 =	vbroadcast v36, $0xE;
	_ =	sdelay $0x1  }
0x131: {  	s9 =	sadd.s32 $0xFFFFFFFF, s1;
	v46 =	vor.u32 v28, v45  }
0x132: {  	v47 =	vmov s9;
	[tilespmem:v37+s23+$0x0] =	vst.idx.msk $0xffff, v38  }
0x133: {  	v48 =	vshll.u32 v47, $0x3;
	_ =	swait.ge [sflag:s30], $0x2000  }
0x134: {  	v37 =	vand.u32 $0x7E, v47;
	v38 =	vand.u32 $0x400, v48;
	[sflag:s30] =	ssyncset.done $0x0  }
0x135: {  	v37 =	vor.u32 v37, v38;
	[sflag:s30] =	ssyncadd.s32 $0xFFFFE000  }
0x136: {  	v50 =	vor.u32 v1, v37;
	v49 =	vld.idx.msk [tilespmem:v46+s14+$0x0], $0xffff  }
0x137: {  	v51 =	vor.u32 v29, v45;
	_ =	sdelay $0x3  }
0x138: {  	[tilespmem:v50+s23+$0x0] =	vst.idx.msk $0xffff, v49  }
0x139: {  	v52 =	vor.u32 v3, v37;
	v38 =	vld.idx.msk [tilespmem:v51+s14+$0x0], $0xffff  }
0x13a: {  	v53 =	vor.u32 v30, v45;
	_ =	sdelay $0x3  }
0x13b: {  	[tilespmem:v52+s23+$0x0] =	vst.idx.msk $0xffff, v38  }
0x13c: {  	v54 =	vor.u32 v5, v37;
	v38 =	vld.idx.msk [tilespmem:v53+s14+$0x0], $0xffff  }
0x13d: {  	v39 =	vor.u32 v31, v45;
	_ =	sdelay $0x3  }
0x13e: {  	[tilespmem:v54+s23+$0x0] =	vst.idx.msk $0xffff, v38  }
0x13f: {  	v37 =	vor.u32 v7, v37;
	v38 =	vld.idx.msk [tilespmem:v39+s14+$0x0], $0xffff;
	_ =	sdelay $0x1  }
0x140: {  	v36 =	vbroadcast v36, $0xF;
	_ =	sdelay $0x1  }
0x141: {  	v55 =	vor.u32 v32, v36  }
0x142: {  	v56 =	vmov s1;
	[tilespmem:v37+s23+$0x0] =	vst.idx.msk $0xffff, v38  }
0x143: {  	v57 =	vshll.u32 v56, $0x3;
	_ =	swait.ge [sflag:s31], $0x2000  }
0x144: {  	v37 =	vand.u32 $0x7F, v56;
	v38 =	vand.u32 $0x400, v57;
	[sflag:s31] =	ssyncset.done $0x0  }
0x145: {  	v37 =	vor.u32 v37, v38;
	[sflag:s31] =	ssyncadd.s32 $0xFFFFE000  }
0x146: {  	v59 =	vor.u32 v1, v37;
	v58 =	vld.idx.msk [tilespmem:v55+s14+$0x0], $0xffff  }
0x147: {  	v60 =	vor.u32 v33, v36;
	_ =	sdelay $0x3  }
0x148: {  	[tilespmem:v59+s23+$0x0] =	vst.idx.msk $0xffff, v58  }
0x149: {  	v61 =	vor.u32 v3, v37;
	v38 =	vld.idx.msk [tilespmem:v60+s14+$0x0], $0xffff  }
0x14a: {  	v62 =	vor.u32 v34, v36;
	_ =	sdelay $0x3  }
0x14b: {  	[tilespmem:v61+s23+$0x0] =	vst.idx.msk $0xffff, v38  }
0x14c: {  	v63 =	vor.u32 v5, v37;
	v38 =	vld.idx.msk [tilespmem:v62+s14+$0x0], $0xffff  }
0x14d: {  	v36 =	vor.u32 v35, v36;
	_ =	sdelay $0x3  }
0x14e: {  	[tilespmem:v63+s23+$0x0] =	vst.idx.msk $0xffff, v38  }
0x14f: {  	p0 =	sne.s32 s1, $0xFF;
	v37 =	vor.u32 v7, v37;
	v36 =	vld.idx.msk [tilespmem:v36+s14+$0x0], $0xffff  }
.Ltmp0:
0x150: {  	_ = 	snop;
	(pc) =	sbr.rel @p0 .LBB2_2-.Ltmp0, $2  }
0x151: {  	_ =	sdelay $0x2  }
0x152: {  	s2 =	sadd.s32 $0x10, s2;
	s1 =	sadd.s32 $0x10, s1;
	[tilespmem:v37+s23+$0x0] =	vst.idx.msk $0xffff, v36  }
0x153: {  	s1 =	simm.s32 $0x0  }
0x154: {  	s2 =	sand.u32 $0x3800, s1;
	s1 =	sand.u32 $0x380, s1  }
0x155: {  	s1 =	sor.u32 s1, s2  }
0x156: {  	v43 =	vld [tilespmem:s1+$0x14100]  }
0x157: {  	v44 =	vld [tilespmem:s1+$0x14110]  }
0x158: {  	v45 =	vld [tilespmem:s1+$0x14120]  }
0x159: {  	v46 =	vld [tilespmem:s1+$0x14130]  }
0x15a: {  	v47 =	vld [tilespmem:s1+$0x14140]  }
0x15b: {  	v48 =	vld [tilespmem:s1+$0x14150]  }
0x15c: {  	v49 =	vld [tilespmem:s1+$0x14160]  }
0x15d: {  	v50 =	vld [tilespmem:s1+$0x14170]  }
0x15e: {  	v51 =	vld [tilespmem:s1+$0x14500]  }
0x15f: {  	v42 =	vld [tilespmem:s1+$0x14510]  }
0x160: {  	v41 =	vld [tilespmem:s1+$0x14520]  }
0x161: {  	v40 =	vld [tilespmem:s1+$0x14530]  }
0x162: {  	v39 =	vld [tilespmem:s1+$0x14540]  }
0x163: {  	v38 =	vld [tilespmem:s1+$0x14550]  }
0x164: {  	v37 =	vld [tilespmem:s1+$0x14560]  }
0x165: {  	v36 =	vld [tilespmem:s1+$0x14570]  }
0x166: {  	v52 =	vld [tilespmem:s1+$0x10100]  }
0x167: {  	v53 =	vld [tilespmem:s1+$0x10110]  }
0x168: {  	v54 =	vld [tilespmem:s1+$0x10120]  }
0x169: {  	v55 =	vld [tilespmem:s1+$0x10130]  }
0x16a: {  	v56 =	vld [tilespmem:s1+$0x10140]  }
0x16b: {  	v62 =	vld [tilespmem:s1+$0x10150];
	v43 =	vadd.f32 v43, v52  }
0x16c: {  	v63 =	vld [tilespmem:s1+$0x10160];
	v44 =	vadd.f32 v44, v53  }
0x16d: {  	v58 =	vld [tilespmem:s1+$0x10170];
	v57 =	vadd.f32 v45, v54;
	[tilespmem:s1+$0x10100] =	vst v43  }
0x16e: {  	v60 =	vld [tilespmem:s1+$0x10500];
	v59 =	vadd.f32 v46, v55;
	[tilespmem:s1+$0x10110] =	vst v44  }
0x16f: {  	v61 =	vadd.f32 v47, v56;
	v46 =	vld [tilespmem:s1+$0x10510];
	[tilespmem:s1+$0x10120] =	vst v57  }
0x170: {  	v62 =	vadd.f32 v48, v62;
	v45 =	vld [tilespmem:s1+$0x10520];
	[tilespmem:s1+$0x10130] =	vst v59  }
0x171: {  	v63 =	vadd.f32 v49, v63;
	[tilespmem:s1+$0x10140] =	vst v61;
	v43 =	vld [tilespmem:s1+$0x10530]  }
0x172: {  	v49 =	vadd.f32 v50, v58;
	[tilespmem:s1+$0x10150] =	vst v62;
	v44 =	vld [tilespmem:s1+$0x10540]  }
0x173: {  	s9 =	simm.s32 $0x100;
	s2 =	simm.s32 $0x80;
	v48 =	vadd.f32 v51, v60;
	v47 =	vld [tilespmem:s1+$0x10550];
	[tilespmem:s1+$0x10160] =	vst v63  }
.LBB2_4:
0x174: {  	s7 =	sand.u32 $0x3800, s9;
	s8 =	sand.u32 $0x380, s2;
	p0 =	sne.s32 s9, $0x3F00;
	[tilespmem:s1+$0x10170] =	vst v49;
	v42 =	vadd.f32 v42, v46;
	v46 =	vld [tilespmem:s1+$0x10560]  }
0x175: {  	s7 =	sor.u32 s8, s7;
	[tilespmem:s1+$0x10500] =	vst v48;
	v41 =	vadd.f32 v41, v45;
	v45 =	vld [tilespmem:s1+$0x10570]  }
0x176: {  	v48 =	vld [tilespmem:s7+$0x14100];
	[tilespmem:s1+$0x10510] =	vst v42;
	v40 =	vadd.f32 v40, v43  }
0x177: {  	v43 =	vld [tilespmem:s7+$0x14110];
	[tilespmem:s1+$0x10520] =	vst v41;
	v39 =	vadd.f32 v39, v44  }
0x178: {  	v44 =	vld [tilespmem:s7+$0x14120];
	[tilespmem:s1+$0x10530] =	vst v40;
	v38 =	vadd.f32 v38, v47  }
0x179: {  	v47 =	vld [tilespmem:s7+$0x14130];
	[tilespmem:s1+$0x10540] =	vst v39;
	v37 =	vadd.f32 v37, v46  }
0x17a: {  	v46 =	vld [tilespmem:s7+$0x14140];
	[tilespmem:s1+$0x10550] =	vst v38;
	v36 =	vadd.f32 v36, v45  }
0x17b: {  	v45 =	vld [tilespmem:s7+$0x14150];
	[tilespmem:s1+$0x10560] =	vst v37  }
0x17c: {  	v49 =	vld [tilespmem:s7+$0x14160];
	[tilespmem:s1+$0x10570] =	vst v36;
	s1 =	smov.u32 s7  }
0x17d: {  	v50 =	vld [tilespmem:s1+$0x14170]  }
0x17e: {  	v51 =	vld [tilespmem:s1+$0x14500]  }
0x17f: {  	v42 =	vld [tilespmem:s1+$0x14510]  }
0x180: {  	v41 =	vld [tilespmem:s1+$0x14520]  }
0x181: {  	v40 =	vld [tilespmem:s1+$0x14530]  }
0x182: {  	v39 =	vld [tilespmem:s1+$0x14540]  }
0x183: {  	v38 =	vld [tilespmem:s1+$0x14550]  }
0x184: {  	v37 =	vld [tilespmem:s1+$0x14560]  }
0x185: {  	v36 =	vld [tilespmem:s1+$0x14570]  }
0x186: {  	v52 =	vld [tilespmem:s1+$0x10100]  }
0x187: {  	v53 =	vld [tilespmem:s1+$0x10110]  }
0x188: {  	v54 =	vld [tilespmem:s1+$0x10120]  }
0x189: {  	v55 =	vld [tilespmem:s1+$0x10130]  }
0x18a: {  	v56 =	vld [tilespmem:s1+$0x10140]  }
0x18b: {  	v48 =	vadd.f32 v48, v52;
	v52 =	vld [tilespmem:s1+$0x10150]  }
0x18c: {  	v43 =	vadd.f32 v43, v53;
	v53 =	vld [tilespmem:s1+$0x10160]  }
0x18d: {  	[tilespmem:s1+$0x10100] =	vst v48;
	v44 =	vadd.f32 v44, v54;
	v48 =	vld [tilespmem:s1+$0x10170]  }
0x18e: {  	[tilespmem:s1+$0x10110] =	vst v43;
	v43 =	vadd.f32 v47, v55;
	v47 =	vld [tilespmem:s1+$0x10500]  }
.Ltmp1:
0x18f: {  	[tilespmem:s1+$0x10120] =	vst v44;
	v44 =	vadd.f32 v46, v56;
	v46 =	vld [tilespmem:s1+$0x10510];
	(pc) =	sbr.rel @p0 .LBB2_4-.Ltmp1, $4  }
0x190: {  	[tilespmem:s1+$0x10130] =	vst v43;
	v52 =	vadd.f32 v45, v52;
	v45 =	vld [tilespmem:s1+$0x10520]  }
0x191: {  	[tilespmem:s1+$0x10140] =	vst v44;
	v53 =	vadd.f32 v49, v53;
	v43 =	vld [tilespmem:s1+$0x10530]  }
0x192: {  	[tilespmem:s1+$0x10150] =	vst v52;
	v49 =	vadd.f32 v50, v48;
	v44 =	vld [tilespmem:s1+$0x10540]  }
0x193: {  	s2 =	sadd.s32 $0x80, s2;
	s9 =	sadd.s32 $0x100, s9;
	[tilespmem:s1+$0x10160] =	vst v53;
	v48 =	vadd.f32 v51, v47;
	v47 =	vld [tilespmem:s1+$0x10550]  }
0x194: {  	[tilespmem:s1+$0x10170] =	vst v49;
	v42 =	vadd.f32 v42, v46;
	v62 =	vld [tilespmem:s1+$0x10560]  }
0x195: {  	v63 =	vld [tilespmem:s1+$0x10570];
	[tilespmem:s1+$0x10500] =	vst v48;
	v41 =	vadd.f32 v41, v45  }
0x196: {  	[tilespmem:s1+$0x10510] =	vst v42;
	v40 =	vadd.f32 v40, v43  }
0x197: {  	[tilespmem:s1+$0x10520] =	vst v41;
	v39 =	vadd.f32 v39, v44  }
0x198: {  	[tilespmem:s1+$0x10530] =	vst v40;
	v38 =	vadd.f32 v38, v47  }
0x199: {  	[tilespmem:s1+$0x10540] =	vst v39;
	v37 =	vadd.f32 v37, v62  }
0x19a: {  	s0 =	sadd.s32 $0x1, s0;
	v36 =	vadd.f32 v36, v63;
	[tilespmem:s1+$0x10550] =	vst v38  }
0x19b: {  	p0 =	sne.s32 s0, s11;
	[tilespmem:s1+$0x10560] =	vst v37  }
.Ltmp2:
0x19c: {  	s2 =	simm.s32 $0x800;
	s7 =	simm.s32 $0x10000;
	[tilespmem:s1+$0x10570] =	vst v36;
	(pc) =	sbr.rel @p0 .LBB2_1-.Ltmp2, $4  }
0x19d: {  	[hbm4b:s5+s2] =	stream.strided.scatter [tilespmem:s23], [sflag:$0xA], $0x4000, s7, s2, $0x38;
	[tilespmem:$0x18100] =	vst v63  }
0x19e: {  	_ =	swait.ge [sflag:s6], $0x4000  }
0x19f: {  	[sflag:s6] =	ssyncset.done $0x0  }
0x1a0: {  	[sflag:s6] =	ssyncadd.s32 $0xFFFFC000  }
0x1a1: {  	_ =	sfence.sel $0x180000  }
0x1a2: {  	[bflag:$0x0] =	sbarrier.arrive $0xFFFF  }
0x1a3: {  	_ =	strace $0x90000047  }
0x1a4: {  	s0 =	stileid.u32;
	[bflag:$0x2] =	sbarrier.arrive $0xFFFF  }
0x1a5: {  	p0 =	sne.s32 s0, $0x0;
	s0 =	rddreg [dreg:$0x4]  }
0x1a6: {  	s0 =	sadd.s32 @!p0 $0x100000, s0  }
0x1a7: {  	[sflag:s0] =	ssyncadd.tile.s32 @!p0 $0x1;
	_ =	shalt  }
.Lfunc_end2:
_tile_overlayer_lowered:
.L_overlay_start_2:
0x1a8: {  	(tag) =	ssettag $0x2  }
0x1a9: {  	s0 =	rddreg [dreg:$0x0];
	s2 =	stileid.u32  }
0x1aa: {  	s1 =	rddreg [dreg:$0x1];
	p0 =	sne.s32 s2, $0x0  }
0x1ab: {  	s3 =	rddreg [dreg:$0x2];
	[bflag:$0x3] =	sbarrier.arrive $0xFFFF;
	s2 =	simm.s32 @!p0 $0x1C0A  }
0x1ac: {  	[timem:s3], [sflag:s2] =	dma.local @!p0 [hbm:s0], s1  }
0x1ad: {  	s0 =	simm.s32 @!p0 $0xA  }
0x1ae: {  	_ =	swait.ge @!p0 [sflag:s0], s1  }
0x1af: {  	s1 =	ssub.s32 @!p0 $0x0, s1;
	[sflag:s0] =	ssyncset.done @!p0 $0x0  }
0x1b0: {  	[sflag:s0] =	ssyncadd.s32 @!p0 s1  }
0x1b1: {  	[bflag:$0x3] =	sbarrier.arrive $0xFFFF  }
0x1b2: {  	_ =	shalt  }

</sc_bundles>
